<compile_context>
chip_gen: v7x
topology: tpu7x:2x2x1
jax: 0.10.2.dev20260603
libtpu: 0.0.44.dev20260713+nightly
codegen_flags: <defaults>
</compile_context>

<pallas_src>
import functools

import jax
import jax.numpy as jnp
from jax import lax
from jax.experimental import pallas as pl
from jax.experimental.pallas import tpu as pltpu
from jax.experimental.pallas import tpu_sc as plsc

_B = 16384
_NCAT = 26
_CARD = 100000
_EDIM = 16
_NBIN = 10
_NCONT = 13
_NREST = _NBIN + _NCONT
_GDIM = _NCAT * _EDIM
_H1 = 256
_H2 = 128
_NCLS = 2

_NW = 32
_ROWS_PER_W = _GDIM // _NW
_Q = 4096


def _gather_t(emb_t, idx_t):
    mesh = plsc.VectorSubcoreMesh(core_axis_name="c", subcore_axis_name="s")

    @functools.partial(
        pl.kernel,
        mesh=mesh,
        out_type=jax.ShapeDtypeStruct((_GDIM, _B), jnp.float32),
        scratch_types=[
            pltpu.VMEM((_CARD,), jnp.float32),
            pltpu.VMEM((_B,), jnp.int32),
            pltpu.VMEM((_Q,), jnp.float32),
            pltpu.VMEM((_Q,), jnp.float32),
            pltpu.SemaphoreType.DMA,
            pltpu.SemaphoreType.DMA,
        ],
        compiler_params=pltpu.CompilerParams(needs_layout_passes=False),
    )
    def gather_k(emb_hbm, idx_hbm, out_hbm, rowbuf, idxbuf, outq0, outq1,
                 sem_row, sem_w):
        wid = lax.axis_index("s") * 2 + lax.axis_index("c")

        def do_row(k, cprev):
            r = wid * _ROWS_PER_W + k
            c = r // _EDIM
            e = r % _EDIM
            rcp = pltpu.async_copy(emb_hbm.at[c, e, :], rowbuf, sem_row)

            @pl.when(c != cprev)
            def _():
                pltpu.sync_copy(idx_hbm.at[c, :], idxbuf)

            rcp.wait()
            handles = []
            for h in range(_B // _Q):
                ob = outq0 if h % 2 == 0 else outq1
                if h >= 2:
                    handles[h - 2].wait()

                def gather_quarter(hh, obuf):
                    @plsc.parallel_loop(0, _Q, 16, unroll=8)
                    def _(ii):
                        iv = idxbuf[pl.ds(hh * _Q + ii, 16)]
                        obuf[pl.ds(ii, 16)] = plsc.load_gather(rowbuf, [iv])

                gather_quarter(h, ob)
                handles.append(
                    pltpu.async_copy(ob, out_hbm.at[r, pl.ds(h * _Q, _Q)],
                                     sem_w))
            handles[-2].wait()
            handles[-1].wait()
            return c

        lax.fori_loop(0, _ROWS_PER_W, do_row, -1)

    return gather_k(emb_t, idx_t)


def _mlp_body(gath_ref, xr_ref, w1g_ref, w1r_ref, b1_ref, g1_ref, be1_ref,
              w2_ref, b2_ref, g2_ref, be2_ref, w3_ref, b3_ref, igp_ref,
              ibp_ref, o_ref):
    def ln(h, g, b):
        m = jnp.mean(h, axis=0, keepdims=True)
        v = jnp.mean((h - m) ** 2, axis=0, keepdims=True)
        return g * (h - m) / jnp.sqrt(v + 1e-5) + b

    xr = xr_ref[...]
    row = lax.broadcasted_iota(jnp.int32, xr.shape, 0)
    binpart = jnp.clip(jnp.round(xr), 0.0, 1.0)
    contpart = xr * igp_ref[...] + ibp_ref[...]
    rest = jnp.where(row < _NBIN, binpart, contpart)
    z1 = (jnp.dot(w1g_ref[...], gath_ref[...], preferred_element_type=jnp.float32)
          + jnp.dot(w1r_ref[...], rest, preferred_element_type=jnp.float32)
          + b1_ref[...])
    h1 = jnp.maximum(ln(z1, g1_ref[...], be1_ref[...]), 0.0)
    z2 = jnp.dot(w2_ref[...], h1, preferred_element_type=jnp.float32) + b2_ref[...]
    h2 = jnp.maximum(ln(z2, g2_ref[...], be2_ref[...]), 0.0)
    o_ref[...] = (jnp.dot(w3_ref[...], h2, preferred_element_type=jnp.float32)
                  + b3_ref[...])


_BB = 2048


def _mlp_t(gath_t, xr_t, w1g, w1r, b1c, g1c, be1c, w2, b2c, g2c, be2c, w3,
           b3c, igc, ibc):
    const = lambda i: (0, 0)
    return pl.pallas_call(
        _mlp_body,
        grid=(_B // _BB,),
        in_specs=[
            pl.BlockSpec((_GDIM, _BB), lambda i: (0, i)),
            pl.BlockSpec((_NREST, _BB), lambda i: (0, i)),
            pl.BlockSpec((_H1, _GDIM), const),
            pl.BlockSpec((_H1, _NREST), const),
            pl.BlockSpec((_H1, 1), const),
            pl.BlockSpec((_H1, 1), const),
            pl.BlockSpec((_H1, 1), const),
            pl.BlockSpec((_H2, _H1), const),
            pl.BlockSpec((_H2, 1), const),
            pl.BlockSpec((_H2, 1), const),
            pl.BlockSpec((_H2, 1), const),
            pl.BlockSpec((_NCLS, _H2), const),
            pl.BlockSpec((_NCLS, 1), const),
            pl.BlockSpec((_NREST, 1), const),
            pl.BlockSpec((_NREST, 1), const),
        ],
        out_specs=pl.BlockSpec((_NCLS, _BB), lambda i: (0, i)),
        out_shape=jax.ShapeDtypeStruct((_NCLS, _B), jnp.float32),
        compiler_params=pltpu.CompilerParams(
            dimension_semantics=("arbitrary",)),
    )(gath_t, xr_t, w1g, w1r, b1c, g1c, be1c, w2, b2c, g2c, be2c, w3, b3c,
      igc, ibc)


def kernel(x, emb, W1, b1, g1, be1, W2, b2, g2, be2, W3, b3, in_gamma,
           in_beta):
    idx_t = jnp.clip(jnp.round(x[:, :_NCAT]), 0, _CARD - 1).astype(
        jnp.int32).T
    emb_t = jnp.transpose(emb, (0, 2, 1))
    gath_t = _gather_t(emb_t, idx_t)

    xr_t = x[:, _NCAT:].T
    igc = jnp.concatenate(
        [jnp.ones((_NBIN,), jnp.float32), in_gamma / (1.0 + 1e-6)]
    ).reshape(_NREST, 1)
    ibc = jnp.concatenate(
        [jnp.zeros((_NBIN,), jnp.float32), in_beta]
    ).reshape(_NREST, 1)

    out_t = _mlp_t(
        gath_t, xr_t,
        W1[:, :_GDIM], W1[:, _GDIM:],
        b1.reshape(_H1, 1), g1.reshape(_H1, 1), be1.reshape(_H1, 1),
        W2, b2.reshape(_H2, 1), g2.reshape(_H2, 1), be2.reshape(_H2, 1),
        W3, b3.reshape(_NCLS, 1),
        igc, ibc,
    )
    return out_t.T

# --- scband reference (transcript-rebuilt; emitter-appended) ---
"""Pipeline reference for scband-tabular-net-with-embedding-82240033784400 (READ-ONLY COPY).

The authoritative reference and input builder live on the scoring server;
editing this copy changes nothing except your own understanding.
"""

import jax
import jax.numpy as jnp
import numpy as np

B = 16384
NCAT = 26
CARD = 100000
EDIM = 16
NBIN = 10
NCONT = 13
HID1 = 256
HID2 = 128
NCLASS = 2
MLP_IN = NCAT * EDIM + NBIN + NCONT


def setup_inputs(seed: int = 0) -> dict:
    key = jax.random.key(seed)
    ks = jax.random.split(key, 12)
    cat = jax.random.randint(ks[0], (B, NCAT), 0, CARD).astype(jnp.float32)
    binf = jax.random.randint(ks[1], (B, NBIN), 0, 2).astype(jnp.float32)
    cont = jax.random.normal(ks[2], (B, NCONT), dtype=jnp.float32)
    x = jnp.concatenate([cat, binf, cont], axis=1)
    emb = jax.random.normal(ks[3], (NCAT, CARD, EDIM), dtype=jnp.float32)
    W1 = jax.random.normal(ks[4], (HID1, MLP_IN), dtype=jnp.float32) / np.sqrt(MLP_IN)
    b1 = jnp.zeros((HID1,), dtype=jnp.float32)
    g1 = jnp.ones((HID1,), dtype=jnp.float32)
    be1 = jnp.zeros((HID1,), dtype=jnp.float32)
    W2 = jax.random.normal(ks[5], (HID2, HID1), dtype=jnp.float32) / np.sqrt(HID1)
    b2 = jnp.zeros((HID2,), dtype=jnp.float32)
    g2 = jnp.ones((HID2,), dtype=jnp.float32)
    be2 = jnp.zeros((HID2,), dtype=jnp.float32)
    W3 = jax.random.normal(ks[6], (NCLASS, HID2), dtype=jnp.float32) / np.sqrt(HID2)
    b3 = jnp.zeros((NCLASS,), dtype=jnp.float32)
    in_gamma = jnp.ones((NCONT,), dtype=jnp.float32)
    in_beta = jnp.zeros((NCONT,), dtype=jnp.float32)
    return {"x": x, "emb": emb, "W1": W1, "b1": b1, "g1": g1, "be1": be1,
            "W2": W2, "b2": b2, "g2": g2, "be2": be2, "W3": W3, "b3": b3,
            "in_gamma": in_gamma, "in_beta": in_beta}


def _layernorm(h, g, b):
    m = jnp.mean(h, axis=-1, keepdims=True)
    v = jnp.mean((h - m) ** 2, axis=-1, keepdims=True)
    return g * (h - m) / jnp.sqrt(v + 1e-5) + b


def reference(x, emb, W1, b1, g1, be1, W2, b2, g2, be2, W3, b3, in_gamma, in_beta):
    # categorical lookup: round -> clamp -> long -> embedding gather (eval mode, dropout = identity)
    idx = jax.lax.stop_gradient(jnp.clip(jnp.round(x[:, :NCAT]), 0, CARD - 1).astype(jnp.int32))
    flat = emb.reshape(NCAT * CARD, EDIM)
    offs = (jnp.arange(NCAT, dtype=jnp.int32) * CARD)[None, :]
    gath = jnp.take(flat, (idx + offs).reshape(-1), axis=0).reshape(x.shape[0], NCAT * EDIM)
    binx = jnp.clip(jnp.round(x[:, NCAT:NCAT + NBIN]), 0.0, 1.0)
    cont = x[:, NCAT + NBIN:]
    # InputNorm in eval mode (unfitted buffers): mu=0, sigma=1, learnable affine gamma/beta
    cont_n = in_gamma * (cont / (1.0 + 1e-6)) + in_beta
    h = jnp.concatenate([gath, binx, cont_n], axis=1)
    h = jax.nn.relu(_layernorm(h @ W1.T + b1, g1, be1))
    h = jax.nn.relu(_layernorm(h @ W2.T + b2, g2, be2))
    return h @ W3.T + b3

if __name__ == "__main__":
    import jax
    _d = setup_inputs()
    print(jax.jit(kernel)(*tuple(_d.values())))

</pallas_src>

<mosaic_0001>
#map = affine_map<(d0, d1) -> (0, 0, 0)>
#map1 = affine_map<(d0, d1) -> (0, 0)>
module attributes {stable_mosaic.version = 14 : i64} {
  func.func @gather_k(%arg0: i32, %arg1: i32, %arg2: memref<26x16x100000xf32, #tpu.memory_space<hbm>>, %arg3: memref<26x16384xi32, #tpu.memory_space<hbm>>, %arg4: memref<416x16384xf32, #tpu.memory_space<hbm>>, %arg5: memref<100000xf32, #tpu.memory_space<vmem>>, %arg6: memref<16384xi32, #tpu.memory_space<vmem>>, %arg7: memref<4096xf32, #tpu.memory_space<vmem>>, %arg8: memref<4096xf32, #tpu.memory_space<vmem>>, %arg9: memref<!tpu.dma_semaphore, #tpu.memory_space<semaphore_mem>>, %arg10: memref<!tpu.dma_semaphore, #tpu.memory_space<semaphore_mem>>) attributes {dimension_semantics = [#tpu.dimension_semantics<core_parallel>, #tpu.dimension_semantics<subcore_parallel>], iteration_bounds = array<i64: 2, 16>, scalar_prefetch = 0 : i64, scratch_operands = 6 : i64, tpu.core_type = #tpu.core_type<sc_vector_subcore>, window_params = [{transform_indices = #map}, {transform_indices = #map1}, {transform_indices = #map1}]} {
    %mul3A = arith.constant 2 : i32
    %mul3A_0 = arith.muli %arg1, %mul3A : i32
    %add3A = arith.addi %mul3A_0, %arg0 : i32
    %scan3A = arith.constant -1 : i32
    %scan3A_1 = arith.constant 0 : i32
    %scan3A_2 = arith.constant 13 : i32
    %scan3A_3 = arith.addi %scan3A_1, %scan3A_2 : i32
    %scan3A_4 = arith.constant 1 : i32
    %scan3A_5 = scf.for %scan3A_7 = %scan3A_1 to %scan3A_3 step %scan3A_4 iter_args(%scan3A_8 = %scan3A) -> (i32)  : i32 {
      %mul3A_9 = arith.constant 13 : i32
      %mul3A_10 = arith.muli %add3A, %mul3A_9 : i32
      %add3A_11 = arith.addi %mul3A_10, %scan3A_7 : i32
      %jit3A = arith.constant 16 : i32
      %div3A = arith.divsi %add3A_11, %jit3A : i32
      %sign3A = arith.constant 0 : i32
      %sign3A_12 = arith.cmpi sgt, %add3A_11, %sign3A : i32
      %sign3A_13 = arith.extui %sign3A_12 : i1 to i32
      %sign3A_14 = arith.constant 0 : i32
      %sign3A_15 = arith.cmpi slt, %add3A_11, %sign3A_14 : i32
      %sign3A_16 = arith.extui %sign3A_15 : i1 to i32
      %sign3A_17 = arith.subi %sign3A_13, %sign3A_16 : i32
      %sign3A_18 = arith.constant 0 : i32
      %sign3A_19 = arith.cmpi sgt, %jit3A, %sign3A_18 : i32
      %sign3A_20 = arith.extui %sign3A_19 : i1 to i32
      %sign3A_21 = arith.constant 0 : i32
      %sign3A_22 = arith.cmpi slt, %jit3A, %sign3A_21 : i32
      %sign3A_23 = arith.extui %sign3A_22 : i1 to i32
      %sign3A_24 = arith.subi %sign3A_20, %sign3A_23 : i32
      %ne3A = arith.cmpi ne, %sign3A_17, %sign3A_24 : i32
      %rem3A = arith.remsi %add3A_11, %jit3A : i32
      %ne3A_25 = arith.constant 0 : i32
      %ne3A_26 = arith.cmpi ne, %rem3A, %ne3A_25 : i32
      %and3A = arith.andi %ne3A, %ne3A_26 : i1
      %sub3A = arith.constant 1 : i32
      %sub3A_27 = arith.subi %div3A, %sub3A : i32
      %select_n3A = arith.select %and3A, %sub3A_27, %div3A : i32
      %jit3A_28 = arith.constant 16 : i32
      %eq3A = arith.constant 0 : i32
      %eq3A_29 = arith.cmpi eq, %jit3A_28, %eq3A : i32
      %jit3A_30 = arith.constant 1 : i32
      %select_n3A_31 = arith.select %eq3A_29, %jit3A_30, %jit3A_28 : i32
      %rem3A_32 = arith.remsi %add3A_11, %select_n3A_31 : i32
      %ne3A_33 = arith.constant 0 : i32
      %ne3A_34 = arith.cmpi ne, %rem3A_32, %ne3A_33 : i32
      %lt3A = arith.constant 0 : i32
      %lt3A_35 = arith.cmpi slt, %rem3A_32, %lt3A : i32
      %lt3A_36 = arith.constant 0 : i32
      %lt3A_37 = arith.cmpi slt, %select_n3A_31, %lt3A_36 : i32
      %ne3A_38 = arith.xori %lt3A_35, %lt3A_37 : i1
      %and3A_39 = arith.andi %ne3A_38, %ne3A_34 : i1
      %add3A_40 = arith.addi %rem3A_32, %select_n3A_31 : i32
      %select_n3A_41 = arith.select %and3A_39, %add3A_40, %rem3A_32 : i32
      %dma_start3A = arith.constant 0 : i32
      %dma_start3A_42 = tpu.memref_slice %arg2[%select_n3A, %select_n3A_41, %dma_start3A] : memref<26x16x100000xf32, #tpu.memory_space<hbm>> -> memref<1x1x100000xf32, #tpu.memory_space<hbm>>
      %dma_start3A_43 = tpu.memref_squeeze %dma_start3A_42 : memref<1x1x100000xf32, #tpu.memory_space<hbm>> -> memref<100000xf32, #tpu.memory_space<hbm>>
      %dma_start3A_44 = arith.constant 0 : i32
      %dma_start3A_45 = tpu.memref_slice %arg2[%select_n3A, %select_n3A_41, %dma_start3A_44] : memref<26x16x100000xf32, #tpu.memory_space<hbm>> -> memref<1x1x100000xf32, #tpu.memory_space<hbm>>
      %dma_start3A_46 = tpu.memref_squeeze %dma_start3A_45 : memref<1x1x100000xf32, #tpu.memory_space<hbm>> -> memref<100000xf32, #tpu.memory_space<hbm>>
      tpu.enqueue_dma source(%dma_start3A_46 : memref<100000xf32, #tpu.memory_space<hbm>>) target(%arg5 : memref<100000xf32, #tpu.memory_space<vmem>>) target_semaphore(%arg9 : memref<!tpu.dma_semaphore, #tpu.memory_space<semaphore_mem>>)
      %ne3A_47 = arith.cmpi ne, %select_n3A, %scan3A_8 : i32
      %convert_element_type3A = arith.extui %ne3A_47 : i1 to i32
      %cond3A = arith.constant 0 : i32
      %cond3A_48 = arith.cmpi ne, %convert_element_type3A, %cond3A : i32
      scf.if %cond3A_48 {
        "tpu.region"() ({
          %run_scoped3A = tpu.sem_alloc : memref<!tpu.dma_semaphore, #tpu.memory_space<semaphore_mem>>
          %dma_start3A_113 = arith.constant 0 : i32
          %dma_start3A_114 = tpu.memref_slice %arg3[%select_n3A, %dma_start3A_113] : memref<26x16384xi32, #tpu.memory_space<hbm>> -> memref<1x16384xi32, #tpu.memory_space<hbm>>
          %dma_start3A_115 = tpu.memref_squeeze %dma_start3A_114 : memref<1x16384xi32, #tpu.memory_space<hbm>> -> memref<16384xi32, #tpu.memory_space<hbm>>
          %dma_start3A_116 = arith.constant 0 : i32
          %dma_start3A_117 = tpu.memref_slice %arg3[%select_n3A, %dma_start3A_116] : memref<26x16384xi32, #tpu.memory_space<hbm>> -> memref<1x16384xi32, #tpu.memory_space<hbm>>
          %dma_start3A_118 = tpu.memref_squeeze %dma_start3A_117 : memref<1x16384xi32, #tpu.memory_space<hbm>> -> memref<16384xi32, #tpu.memory_space<hbm>>
          tpu.enqueue_dma source(%dma_start3A_118 : memref<16384xi32, #tpu.memory_space<hbm>>) target(%arg6 : memref<16384xi32, #tpu.memory_space<vmem>>) target_semaphore(%run_scoped3A : memref<!tpu.dma_semaphore, #tpu.memory_space<semaphore_mem>>)
          %dma_wait3A_119 = arith.constant 0 : i32
          %dma_wait3A_120 = tpu.memref_slice %arg3[%select_n3A, %dma_wait3A_119] : memref<26x16384xi32, #tpu.memory_space<hbm>> -> memref<1x16384xi32, #tpu.memory_space<hbm>>
          %dma_wait3A_121 = tpu.memref_squeeze %dma_wait3A_120 : memref<1x16384xi32, #tpu.memory_space<hbm>> -> memref<16384xi32, #tpu.memory_space<hbm>>
          %dma_wait3A_122 = arith.constant 0 : i32
          %dma_wait3A_123 = tpu.memref_slice %arg3[%select_n3A, %dma_wait3A_122] : memref<26x16384xi32, #tpu.memory_space<hbm>> -> memref<1x16384xi32, #tpu.memory_space<hbm>>
          %dma_wait3A_124 = tpu.memref_squeeze %dma_wait3A_123 : memref<1x16384xi32, #tpu.memory_space<hbm>> -> memref<16384xi32, #tpu.memory_space<hbm>>
          tpu.wait_dma2 semaphore(%run_scoped3A : memref<!tpu.dma_semaphore, #tpu.memory_space<semaphore_mem>>) src(%dma_wait3A_124 : memref<16384xi32, #tpu.memory_space<hbm>>) dst(%arg6 : memref<16384xi32, #tpu.memory_space<vmem>>)
          tpu.yield
        }) : () -> ()
      } else {
      }
      %dma_wait3A = arith.constant 0 : i32
      %dma_wait3A_49 = tpu.memref_slice %arg2[%select_n3A, %select_n3A_41, %dma_wait3A] : memref<26x16x100000xf32, #tpu.memory_space<hbm>> -> memref<1x1x100000xf32, #tpu.memory_space<hbm>>
      %dma_wait3A_50 = tpu.memref_squeeze %dma_wait3A_49 : memref<1x1x100000xf32, #tpu.memory_space<hbm>> -> memref<100000xf32, #tpu.memory_space<hbm>>
      %dma_wait3A_51 = arith.constant 0 : i32
      %dma_wait3A_52 = tpu.memref_slice %arg2[%select_n3A, %select_n3A_41, %dma_wait3A_51] : memref<26x16x100000xf32, #tpu.memory_space<hbm>> -> memref<1x1x100000xf32, #tpu.memory_space<hbm>>
      %dma_wait3A_53 = tpu.memref_squeeze %dma_wait3A_52 : memref<1x1x100000xf32, #tpu.memory_space<hbm>> -> memref<100000xf32, #tpu.memory_space<hbm>>
      tpu.wait_dma2 semaphore(%arg9 : memref<!tpu.dma_semaphore, #tpu.memory_space<semaphore_mem>>) src(%dma_wait3A_53 : memref<100000xf32, #tpu.memory_space<hbm>>) dst(%arg5 : memref<100000xf32, #tpu.memory_space<vmem>>)
      %parallel_loop3A = arith.constant 0 : i32
      %parallel_loop3A_54 = arith.constant 4096 : i32
      %parallel_loop3A_55 = arith.constant 16 : i32
      scf.for %parallel_loop3A_113 = %parallel_loop3A to %parallel_loop3A_54 step %parallel_loop3A_55  : i32 {
        %parallel_loop3A_114 = arith.constant 0 : i32
        %parallel_loop3A_115 = arith.addi %parallel_loop3A_114, %parallel_loop3A_113 : i32
        %parallel_loop3A_116 = arith.index_cast %parallel_loop3A_115 : i32 to index
        %parallel_loop3A_117 = tpu.vector_load %arg6[%parallel_loop3A_116] {strides = array<i32>} : memref<16384xi32, #tpu.memory_space<vmem>>, vector<16xi32>,
        %parallel_loop3A_118 = tpu.vector_load_idx %arg5[%parallel_loop3A_117] : memref<100000xf32, #tpu.memory_space<vmem>>[vector<16xi32>], vector<16xf32>,
        %parallel_loop3A_119 = arith.index_cast %parallel_loop3A_113 : i32 to index
        %parallel_loop3A_120 = tpu.vector_load %arg7[%parallel_loop3A_119] {strides = array<i32>} : memref<4096xf32, #tpu.memory_space<vmem>>, vector<16xf32>,
        tpu.vector_store %arg7[%parallel_loop3A_119], %parallel_loop3A_118 {strides = array<i32>} : memref<4096xf32, #tpu.memory_space<vmem>>, vector<16xf32>,
      } {sc.loop_unroll_factor = 8 : i64, sc.parallel_access}
      %dma_start3A_56 = arith.constant 0 : i32
      %dma_start3A_57 = tpu.memref_slice %arg4[%add3A_11, %dma_start3A_56] : memref<416x16384xf32, #tpu.memory_space<hbm>> -> memref<1x4096xf32, #tpu.memory_space<hbm>>
      %dma_start3A_58 = tpu.memref_squeeze %dma_start3A_57 : memref<1x4096xf32, #tpu.memory_space<hbm>> -> memref<4096xf32, #tpu.memory_space<hbm>>
      %dma_start3A_59 = arith.constant 0 : i32
      %dma_start3A_60 = tpu.memref_slice %arg4[%add3A_11, %dma_start3A_59] : memref<416x16384xf32, #tpu.memory_space<hbm>> -> memref<1x4096xf32, #tpu.memory_space<hbm>>
      %dma_start3A_61 = tpu.memref_squeeze %dma_start3A_60 : memref<1x4096xf32, #tpu.memory_space<hbm>> -> memref<4096xf32, #tpu.memory_space<hbm>>
      tpu.enqueue_dma source(%arg7 : memref<4096xf32, #tpu.memory_space<vmem>>) target(%dma_start3A_61 : memref<4096xf32, #tpu.memory_space<hbm>>) target_semaphore(%arg10 : memref<!tpu.dma_semaphore, #tpu.memory_space<semaphore_mem>>)
      %parallel_loop3A_62 = arith.constant 0 : i32
      %parallel_loop3A_63 = arith.constant 4096 : i32
      %parallel_loop3A_64 = arith.constant 16 : i32
      scf.for %parallel_loop3A_113 = %parallel_loop3A_62 to %parallel_loop3A_63 step %parallel_loop3A_64  : i32 {
        %parallel_loop3A_114 = arith.constant 4096 : i32
        %parallel_loop3A_115 = arith.addi %parallel_loop3A_114, %parallel_loop3A_113 : i32
        %parallel_loop3A_116 = arith.index_cast %parallel_loop3A_115 : i32 to index
        %parallel_loop3A_117 = tpu.vector_load %arg6[%parallel_loop3A_116] {strides = array<i32>} : memref<16384xi32, #tpu.memory_space<vmem>>, vector<16xi32>,
        %parallel_loop3A_118 = tpu.vector_load_idx %arg5[%parallel_loop3A_117] : memref<100000xf32, #tpu.memory_space<vmem>>[vector<16xi32>], vector<16xf32>,
        %parallel_loop3A_119 = arith.index_cast %parallel_loop3A_113 : i32 to index
        %parallel_loop3A_120 = tpu.vector_load %arg8[%parallel_loop3A_119] {strides = array<i32>} : memref<4096xf32, #tpu.memory_space<vmem>>, vector<16xf32>,
        tpu.vector_store %arg8[%parallel_loop3A_119], %parallel_loop3A_118 {strides = array<i32>} : memref<4096xf32, #tpu.memory_space<vmem>>, vector<16xf32>,
      } {sc.loop_unroll_factor = 8 : i64, sc.parallel_access}
      %dma_start3A_65 = arith.constant 4096 : i32
      %dma_start3A_66 = tpu.memref_slice %arg4[%add3A_11, %dma_start3A_65] : memref<416x16384xf32, #tpu.memory_space<hbm>> -> memref<1x4096xf32, #tpu.memory_space<hbm>>
      %dma_start3A_67 = tpu.memref_squeeze %dma_start3A_66 : memref<1x4096xf32, #tpu.memory_space<hbm>> -> memref<4096xf32, #tpu.memory_space<hbm>>
      %dma_start3A_68 = arith.constant 4096 : i32
      %dma_start3A_69 = tpu.memref_slice %arg4[%add3A_11, %dma_start3A_68] : memref<416x16384xf32, #tpu.memory_space<hbm>> -> memref<1x4096xf32, #tpu.memory_space<hbm>>
      %dma_start3A_70 = tpu.memref_squeeze %dma_start3A_69 : memref<1x4096xf32, #tpu.memory_space<hbm>> -> memref<4096xf32, #tpu.memory_space<hbm>>
      tpu.enqueue_dma source(%arg8 : memref<4096xf32, #tpu.memory_space<vmem>>) target(%dma_start3A_70 : memref<4096xf32, #tpu.memory_space<hbm>>) target_semaphore(%arg10 : memref<!tpu.dma_semaphore, #tpu.memory_space<semaphore_mem>>)
      %dma_wait3A_71 = arith.constant 0 : i32
      %dma_wait3A_72 = tpu.memref_slice %arg4[%add3A_11, %dma_wait3A_71] : memref<416x16384xf32, #tpu.memory_space<hbm>> -> memref<1x4096xf32, #tpu.memory_space<hbm>>
      %dma_wait3A_73 = tpu.memref_squeeze %dma_wait3A_72 : memref<1x4096xf32, #tpu.memory_space<hbm>> -> memref<4096xf32, #tpu.memory_space<hbm>>
      %dma_wait3A_74 = arith.constant 0 : i32
      %dma_wait3A_75 = tpu.memref_slice %arg4[%add3A_11, %dma_wait3A_74] : memref<416x16384xf32, #tpu.memory_space<hbm>> -> memref<1x4096xf32, #tpu.memory_space<hbm>>
      %dma_wait3A_76 = tpu.memref_squeeze %dma_wait3A_75 : memref<1x4096xf32, #tpu.memory_space<hbm>> -> memref<4096xf32, #tpu.memory_space<hbm>>
      tpu.wait_dma2 semaphore(%arg10 : memref<!tpu.dma_semaphore, #tpu.memory_space<semaphore_mem>>) src(%arg7 : memref<4096xf32, #tpu.memory_space<vmem>>) dst(%dma_wait3A_76 : memref<4096xf32, #tpu.memory_space<hbm>>)
      %parallel_loop3A_77 = arith.constant 0 : i32
      %parallel_loop3A_78 = arith.constant 4096 : i32
      %parallel_loop3A_79 = arith.constant 16 : i32
      scf.for %parallel_loop3A_113 = %parallel_loop3A_77 to %parallel_loop3A_78 step %parallel_loop3A_79  : i32 {
        %parallel_loop3A_114 = arith.constant 8192 : i32
        %parallel_loop3A_115 = arith.addi %parallel_loop3A_114, %parallel_loop3A_113 : i32
        %parallel_loop3A_116 = arith.index_cast %parallel_loop3A_115 : i32 to index
        %parallel_loop3A_117 = tpu.vector_load %arg6[%parallel_loop3A_116] {strides = array<i32>} : memref<16384xi32, #tpu.memory_space<vmem>>, vector<16xi32>,
        %parallel_loop3A_118 = tpu.vector_load_idx %arg5[%parallel_loop3A_117] : memref<100000xf32, #tpu.memory_space<vmem>>[vector<16xi32>], vector<16xf32>,
        %parallel_loop3A_119 = arith.index_cast %parallel_loop3A_113 : i32 to index
        %parallel_loop3A_120 = tpu.vector_load %arg7[%parallel_loop3A_119] {strides = array<i32>} : memref<4096xf32, #tpu.memory_space<vmem>>, vector<16xf32>,
        tpu.vector_store %arg7[%parallel_loop3A_119], %parallel_loop3A_118 {strides = array<i32>} : memref<4096xf32, #tpu.memory_space<vmem>>, vector<16xf32>,
      } {sc.loop_unroll_factor = 8 : i64, sc.parallel_access}
      %dma_start3A_80 = arith.constant 8192 : i32
      %dma_start3A_81 = tpu.memref_slice %arg4[%add3A_11, %dma_start3A_80] : memref<416x16384xf32, #tpu.memory_space<hbm>> -> memref<1x4096xf32, #tpu.memory_space<hbm>>
      %dma_start3A_82 = tpu.memref_squeeze %dma_start3A_81 : memref<1x4096xf32, #tpu.memory_space<hbm>> -> memref<4096xf32, #tpu.memory_space<hbm>>
      %dma_start3A_83 = arith.constant 8192 : i32
      %dma_start3A_84 = tpu.memref_slice %arg4[%add3A_11, %dma_start3A_83] : memref<416x16384xf32, #tpu.memory_space<hbm>> -> memref<1x4096xf32, #tpu.memory_space<hbm>>
      %dma_start3A_85 = tpu.memref_squeeze %dma_start3A_84 : memref<1x4096xf32, #tpu.memory_space<hbm>> -> memref<4096xf32, #tpu.memory_space<hbm>>
      tpu.enqueue_dma source(%arg7 : memref<4096xf32, #tpu.memory_space<vmem>>) target(%dma_start3A_85 : memref<4096xf32, #tpu.memory_space<hbm>>) target_semaphore(%arg10 : memref<!tpu.dma_semaphore, #tpu.memory_space<semaphore_mem>>)
      %dma_wait3A_86 = arith.constant 4096 : i32
      %dma_wait3A_87 = tpu.memref_slice %arg4[%add3A_11, %dma_wait3A_86] : memref<416x16384xf32, #tpu.memory_space<hbm>> -> memref<1x4096xf32, #tpu.memory_space<hbm>>
      %dma_wait3A_88 = tpu.memref_squeeze %dma_wait3A_87 : memref<1x4096xf32, #tpu.memory_space<hbm>> -> memref<4096xf32, #tpu.memory_space<hbm>>
      %dma_wait3A_89 = arith.constant 4096 : i32
      %dma_wait3A_90 = tpu.memref_slice %arg4[%add3A_11, %dma_wait3A_89] : memref<416x16384xf32, #tpu.memory_space<hbm>> -> memref<1x4096xf32, #tpu.memory_space<hbm>>
      %dma_wait3A_91 = tpu.memref_squeeze %dma_wait3A_90 : memref<1x4096xf32, #tpu.memory_space<hbm>> -> memref<4096xf32, #tpu.memory_space<hbm>>
      tpu.wait_dma2 semaphore(%arg10 : memref<!tpu.dma_semaphore, #tpu.memory_space<semaphore_mem>>) src(%arg8 : memref<4096xf32, #tpu.memory_space<vmem>>) dst(%dma_wait3A_91 : memref<4096xf32, #tpu.memory_space<hbm>>)
      %parallel_loop3A_92 = arith.constant 0 : i32
      %parallel_loop3A_93 = arith.constant 4096 : i32
      %parallel_loop3A_94 = arith.constant 16 : i32
      scf.for %parallel_loop3A_113 = %parallel_loop3A_92 to %parallel_loop3A_93 step %parallel_loop3A_94  : i32 {
        %parallel_loop3A_114 = arith.constant 12288 : i32
        %parallel_loop3A_115 = arith.addi %parallel_loop3A_114, %parallel_loop3A_113 : i32
        %parallel_loop3A_116 = arith.index_cast %parallel_loop3A_115 : i32 to index
        %parallel_loop3A_117 = tpu.vector_load %arg6[%parallel_loop3A_116] {strides = array<i32>} : memref<16384xi32, #tpu.memory_space<vmem>>, vector<16xi32>,
        %parallel_loop3A_118 = tpu.vector_load_idx %arg5[%parallel_loop3A_117] : memref<100000xf32, #tpu.memory_space<vmem>>[vector<16xi32>], vector<16xf32>,
        %parallel_loop3A_119 = arith.index_cast %parallel_loop3A_113 : i32 to index
        %parallel_loop3A_120 = tpu.vector_load %arg8[%parallel_loop3A_119] {strides = array<i32>} : memref<4096xf32, #tpu.memory_space<vmem>>, vector<16xf32>,
        tpu.vector_store %arg8[%parallel_loop3A_119], %parallel_loop3A_118 {strides = array<i32>} : memref<4096xf32, #tpu.memory_space<vmem>>, vector<16xf32>,
      } {sc.loop_unroll_factor = 8 : i64, sc.parallel_access}
      %dma_start3A_95 = arith.constant 12288 : i32
      %dma_start3A_96 = tpu.memref_slice %arg4[%add3A_11, %dma_start3A_95] : memref<416x16384xf32, #tpu.memory_space<hbm>> -> memref<1x4096xf32, #tpu.memory_space<hbm>>
      %dma_start3A_97 = tpu.memref_squeeze %dma_start3A_96 : memref<1x4096xf32, #tpu.memory_space<hbm>> -> memref<4096xf32, #tpu.memory_space<hbm>>
      %dma_start3A_98 = arith.constant 12288 : i32
      %dma_start3A_99 = tpu.memref_slice %arg4[%add3A_11, %dma_start3A_98] : memref<416x16384xf32, #tpu.memory_space<hbm>> -> memref<1x4096xf32, #tpu.memory_space<hbm>>
      %dma_start3A_100 = tpu.memref_squeeze %dma_start3A_99 : memref<1x4096xf32, #tpu.memory_space<hbm>> -> memref<4096xf32, #tpu.memory_space<hbm>>
      tpu.enqueue_dma source(%arg8 : memref<4096xf32, #tpu.memory_space<vmem>>) target(%dma_start3A_100 : memref<4096xf32, #tpu.memory_space<hbm>>) target_semaphore(%arg10 : memref<!tpu.dma_semaphore, #tpu.memory_space<semaphore_mem>>)
      %dma_wait3A_101 = arith.constant 8192 : i32
      %dma_wait3A_102 = tpu.memref_slice %arg4[%add3A_11, %dma_wait3A_101] : memref<416x16384xf32, #tpu.memory_space<hbm>> -> memref<1x4096xf32, #tpu.memory_space<hbm>>
      %dma_wait3A_103 = tpu.memref_squeeze %dma_wait3A_102 : memref<1x4096xf32, #tpu.memory_space<hbm>> -> memref<4096xf32, #tpu.memory_space<hbm>>
      %dma_wait3A_104 = arith.constant 8192 : i32
      %dma_wait3A_105 = tpu.memref_slice %arg4[%add3A_11, %dma_wait3A_104] : memref<416x16384xf32, #tpu.memory_space<hbm>> -> memref<1x4096xf32, #tpu.memory_space<hbm>>
      %dma_wait3A_106 = tpu.memref_squeeze %dma_wait3A_105 : memref<1x4096xf32, #tpu.memory_space<hbm>> -> memref<4096xf32, #tpu.memory_space<hbm>>
      tpu.wait_dma2 semaphore(%arg10 : memref<!tpu.dma_semaphore, #tpu.memory_space<semaphore_mem>>) src(%arg7 : memref<4096xf32, #tpu.memory_space<vmem>>) dst(%dma_wait3A_106 : memref<4096xf32, #tpu.memory_space<hbm>>)
      %dma_wait3A_107 = arith.constant 12288 : i32
      %dma_wait3A_108 = tpu.memref_slice %arg4[%add3A_11, %dma_wait3A_107] : memref<416x16384xf32, #tpu.memory_space<hbm>> -> memref<1x4096xf32, #tpu.memory_space<hbm>>
      %dma_wait3A_109 = tpu.memref_squeeze %dma_wait3A_108 : memref<1x4096xf32, #tpu.memory_space<hbm>> -> memref<4096xf32, #tpu.memory_space<hbm>>
      %dma_wait3A_110 = arith.constant 12288 : i32
      %dma_wait3A_111 = tpu.memref_slice %arg4[%add3A_11, %dma_wait3A_110] : memref<416x16384xf32, #tpu.memory_space<hbm>> -> memref<1x4096xf32, #tpu.memory_space<hbm>>
      %dma_wait3A_112 = tpu.memref_squeeze %dma_wait3A_111 : memref<1x4096xf32, #tpu.memory_space<hbm>> -> memref<4096xf32, #tpu.memory_space<hbm>>
      tpu.wait_dma2 semaphore(%arg10 : memref<!tpu.dma_semaphore, #tpu.memory_space<semaphore_mem>>) src(%arg8 : memref<4096xf32, #tpu.memory_space<vmem>>) dst(%dma_wait3A_112 : memref<4096xf32, #tpu.memory_space<hbm>>)
      scf.yield %select_n3A : i32
    }
    %scan3A_6 = arith.constant 13 : i32
    return
  }
}

module attributes {stable_mosaic.version = 14 : i64} {
  func.func @_mlp_body(%arg0: i32, %arg1: memref<416x2048xf32, #tpu.memory_space<vmem>>, %arg2: memref<23x2048xf32, #tpu.memory_space<vmem>>, %arg3: memref<256x416xf32, #tpu.memory_space<vmem>>, %arg4: memref<256x23xf32, #tpu.memory_space<vmem>>, %arg5: memref<256x1xf32, #tpu.memory_space<vmem>>, %arg6: memref<256x1xf32, #tpu.memory_space<vmem>>, %arg7: memref<256x1xf32, #tpu.memory_space<vmem>>, %arg8: memref<128x256xf32, #tpu.memory_space<vmem>>, %arg9: memref<128x1xf32, #tpu.memory_space<vmem>>, %arg10: memref<128x1xf32, #tpu.memory_space<vmem>>, %arg11: memref<128x1xf32, #tpu.memory_space<vmem>>, %arg12: memref<2x128xf32, #tpu.memory_space<vmem>>, %arg13: memref<2x1xf32, #tpu.memory_space<vmem>>, %arg14: memref<23x1xf32, #tpu.memory_space<vmem>>, %arg15: memref<23x1xf32, #tpu.memory_space<vmem>>, %arg16: memref<2x2048xf32, #tpu.memory_space<vmem>>) attributes {dimension_semantics = [#tpu.dimension_semantics<arbitrary>], iteration_bounds = array<i64: 8>, scalar_prefetch = 0 : i64, scratch_operands = 0 : i64, tpu.core_type = #tpu.core_type<tc>, window_params = [{transform_indices = @transform_0, window_bounds = array<i64: 416, 2048>}, {transform_indices = @transform_1, window_bounds = array<i64: 23, 2048>}, {pipeline_mode = #tpu.pipeline_mode<synchronous>, transform_indices = @transform_2, window_bounds = array<i64: 256, 416>}, {pipeline_mode = #tpu.pipeline_mode<synchronous>, transform_indices = @transform_3, window_bounds = array<i64: 256, 23>}, {pipeline_mode = #tpu.pipeline_mode<synchronous>, transform_indices = @transform_4, window_bounds = array<i64: 256, 1>}, {pipeline_mode = #tpu.pipeline_mode<synchronous>, transform_indices = @transform_5, window_bounds = array<i64: 256, 1>}, {pipeline_mode = #tpu.pipeline_mode<synchronous>, transform_indices = @transform_6, window_bounds = array<i64: 256, 1>}, {pipeline_mode = #tpu.pipeline_mode<synchronous>, transform_indices = @transform_7, window_bounds = array<i64: 128, 256>}, {pipeline_mode = #tpu.pipeline_mode<synchronous>, transform_indices = @transform_8, window_bounds = array<i64: 128, 1>}, {pipeline_mode = #tpu.pipeline_mode<synchronous>, transform_indices = @transform_9, window_bounds = array<i64: 128, 1>}, {pipeline_mode = #tpu.pipeline_mode<synchronous>, transform_indices = @transform_10, window_bounds = array<i64: 128, 1>}, {pipeline_mode = #tpu.pipeline_mode<synchronous>, transform_indices = @transform_11, window_bounds = array<i64: 2, 128>}, {pipeline_mode = #tpu.pipeline_mode<synchronous>, transform_indices = @transform_12, window_bounds = array<i64: 2, 1>}, {pipeline_mode = #tpu.pipeline_mode<synchronous>, transform_indices = @transform_13, window_bounds = array<i64: 23, 1>}, {pipeline_mode = #tpu.pipeline_mode<synchronous>, transform_indices = @transform_14, window_bounds = array<i64: 23, 1>}, {transform_indices = @transform_15, window_bounds = array<i64: 2, 2048>}]} {
    %get3A = arith.constant 0 : index
    %get3A_0 = arith.constant 0 : index
    %get3A_1 = vector.load %arg2[%get3A, %get3A_0] : memref<23x2048xf32, #tpu.memory_space<vmem>>, vector<23x2048xf32>
    %iota3A = tpu.iota {dimensions = array<i32: 0>} : vector<23x2048xi32>
    %round3A = math.roundeven %get3A_1 : vector<23x2048xf32>
    %jit3A = arith.constant 0.000000e+00 : f32
    %jit3A_2 = arith.constant 1.000000e+00 : f32
    %max3A = vector.broadcast %jit3A : f32 to vector<23x2048xf32>
    %max3A_3 = arith.maximumf %max3A, %round3A : vector<23x2048xf32>
    %min3A = vector.broadcast %jit3A_2 : f32 to vector<23x2048xf32>
    %min3A_4 = arith.minimumf %min3A, %max3A_3 : vector<23x2048xf32>
    %get3A_5 = arith.constant 0 : index
    %get3A_6 = arith.constant 0 : index
    %get3A_7 = vector.load %arg14[%get3A_5, %get3A_6] : memref<23x1xf32, #tpu.memory_space<vmem>>, vector<23x1xf32>
    %mul3A = vector.broadcast %get3A_7 : vector<23x1xf32> to vector<23x2048xf32>
    %mul3A_8 = arith.mulf %get3A_1, %mul3A : vector<23x2048xf32>
    %get3A_9 = arith.constant 0 : index
    %get3A_10 = arith.constant 0 : index
    %get3A_11 = vector.load %arg15[%get3A_9, %get3A_10] : memref<23x1xf32, #tpu.memory_space<vmem>>, vector<23x1xf32>
    %add3A = vector.broadcast %get3A_11 : vector<23x1xf32> to vector<23x2048xf32>
    %add3A_12 = arith.addf %mul3A_8, %add3A : vector<23x2048xf32>
    %lt3A = arith.constant 10 : i32
    %lt3A_13 = vector.broadcast %lt3A : i32 to vector<23x2048xi32>
    %lt3A_14 = arith.cmpi slt, %iota3A, %lt3A_13 : vector<23x2048xi32>
    %select_n3A = arith.select %lt3A_14, %min3A_4, %add3A_12 : vector<23x2048xi1>, vector<23x2048xf32>
    %get3A_15 = arith.constant 0 : index
    %get3A_16 = arith.constant 0 : index
    %get3A_17 = vector.load %arg3[%get3A_15, %get3A_16] : memref<256x416xf32, #tpu.memory_space<vmem>>, vector<256x416xf32>
    %get3A_18 = arith.constant 0 : index
    %get3A_19 = arith.constant 0 : index
    %get3A_20 = vector.load %arg1[%get3A_18, %get3A_19] : memref<416x2048xf32, #tpu.memory_space<vmem>>, vector<416x2048xf32>
    %dot_general3A = arith.constant dense<0.000000e+00> : vector<256x2048xf32>
    %dot_general3A_21 = tpu.matmul %get3A_17, %get3A_20, %dot_general3A {dimension_numbers = #tpu.dot_dimension_numbers<[1], [0], [0], [1], [0, 0, 1, 1], [], []>, transpose_lhs_hint = false} : vector<256x416xf32>, vector<416x2048xf32>, vector<256x2048xf32> -> vector<256x2048xf32>
    %get3A_22 = arith.constant 0 : index
    %get3A_23 = arith.constant 0 : index
    %get3A_24 = vector.load %arg4[%get3A_22, %get3A_23] : memref<256x23xf32, #tpu.memory_space<vmem>>, vector<256x23xf32>
    %dot_general3A_25 = arith.constant dense<0.000000e+00> : vector<256x2048xf32>
    %dot_general3A_26 = tpu.matmul %get3A_24, %select_n3A, %dot_general3A_25 {dimension_numbers = #tpu.dot_dimension_numbers<[1], [0], [0], [1], [0, 0, 1, 1], [], []>, transpose_lhs_hint = false} : vector<256x23xf32>, vector<23x2048xf32>, vector<256x2048xf32> -> vector<256x2048xf32>
    %add3A_27 = arith.addf %dot_general3A_21, %dot_general3A_26 : vector<256x2048xf32>
    %get3A_28 = arith.constant 0 : index
    %get3A_29 = arith.constant 0 : index
    %get3A_30 = vector.load %arg5[%get3A_28, %get3A_29] : memref<256x1xf32, #tpu.memory_space<vmem>>, vector<256x1xf32>
    %add3A_31 = vector.broadcast %get3A_30 : vector<256x1xf32> to vector<256x2048xf32>
    %add3A_32 = arith.addf %add3A_27, %add3A_31 : vector<256x2048xf32>
    %get3A_33 = arith.constant 0 : index
    %get3A_34 = arith.constant 0 : index
    %get3A_35 = vector.load %arg6[%get3A_33, %get3A_34] : memref<256x1xf32, #tpu.memory_space<vmem>>, vector<256x1xf32>
    %get3A_36 = arith.constant 0 : index
    %get3A_37 = arith.constant 0 : index
    %get3A_38 = vector.load %arg7[%get3A_36, %get3A_37] : memref<256x1xf32, #tpu.memory_space<vmem>>, vector<256x1xf32>
    %reduce_sum3A = arith.constant dense<0.000000e+00> : vector<2048xf32>
    %reduce_sum3A_39 = vector.multi_reduction <add>, %add3A_32, %reduce_sum3A [0] : vector<256x2048xf32> to vector<2048xf32>
    %broadcast_in_dim3A = vector.shape_cast %reduce_sum3A_39 : vector<2048xf32> to vector<1x2048xf32>
    %div3A = arith.constant 2.560000e+02 : f32
    %div3A_40 = vector.broadcast %div3A : f32 to vector<1x2048xf32>
    %div3A_41 = arith.divf %broadcast_in_dim3A, %div3A_40 : vector<1x2048xf32>
    %sub3A = vector.broadcast %div3A_41 : vector<1x2048xf32> to vector<256x2048xf32>
    %sub3A_42 = arith.subf %add3A_32, %sub3A : vector<256x2048xf32>
    %integer_pow3A = arith.mulf %sub3A_42, %sub3A_42 : vector<256x2048xf32>
    %reduce_sum3A_43 = arith.constant dense<0.000000e+00> : vector<2048xf32>
    %reduce_sum3A_44 = vector.multi_reduction <add>, %integer_pow3A, %reduce_sum3A_43 [0] : vector<256x2048xf32> to vector<2048xf32>
    %broadcast_in_dim3A_45 = vector.shape_cast %reduce_sum3A_44 : vector<2048xf32> to vector<1x2048xf32>
    %div3A_46 = arith.constant 2.560000e+02 : f32
    %div3A_47 = vector.broadcast %div3A_46 : f32 to vector<1x2048xf32>
    %div3A_48 = arith.divf %broadcast_in_dim3A_45, %div3A_47 : vector<1x2048xf32>
    %sub3A_49 = vector.broadcast %div3A_41 : vector<1x2048xf32> to vector<256x2048xf32>
    %sub3A_50 = arith.subf %add3A_32, %sub3A_49 : vector<256x2048xf32>
    %mul3A_51 = vector.broadcast %get3A_35 : vector<256x1xf32> to vector<256x2048xf32>
    %mul3A_52 = arith.mulf %mul3A_51, %sub3A_50 : vector<256x2048xf32>
    %add3A_53 = arith.constant 9.99999974E-6 : f32
    %add3A_54 = vector.broadcast %add3A_53 : f32 to vector<1x2048xf32>
    %add3A_55 = arith.addf %div3A_48, %add3A_54 : vector<1x2048xf32>
    %sqrt3A = math.sqrt %add3A_55 : vector<1x2048xf32>
    %div3A_56 = vector.broadcast %sqrt3A : vector<1x2048xf32> to vector<256x2048xf32>
    %div3A_57 = arith.divf %mul3A_52, %div3A_56 : vector<256x2048xf32>
    %add3A_58 = vector.broadcast %get3A_38 : vector<256x1xf32> to vector<256x2048xf32>
    %add3A_59 = arith.addf %div3A_57, %add3A_58 : vector<256x2048xf32>
    %max3A_60 = arith.constant 0.000000e+00 : f32
    %max3A_61 = vector.broadcast %max3A_60 : f32 to vector<256x2048xf32>
    %max3A_62 = arith.maximumf %add3A_59, %max3A_61 : vector<256x2048xf32>
    %get3A_63 = arith.constant 0 : index
    %get3A_64 = arith.constant 0 : index
    %get3A_65 = vector.load %arg8[%get3A_63, %get3A_64] : memref<128x256xf32, #tpu.memory_space<vmem>>, vector<128x256xf32>
    %dot_general3A_66 = arith.constant dense<0.000000e+00> : vector<128x2048xf32>
    %dot_general3A_67 = tpu.matmul %get3A_65, %max3A_62, %dot_general3A_66 {dimension_numbers = #tpu.dot_dimension_numbers<[1], [0], [0], [1], [0, 0, 1, 1], [], []>, transpose_lhs_hint = false} : vector<128x256xf32>, vector<256x2048xf32>, vector<128x2048xf32> -> vector<128x2048xf32>
    %get3A_68 = arith.constant 0 : index
    %get3A_69 = arith.constant 0 : index
    %get3A_70 = vector.load %arg9[%get3A_68, %get3A_69] : memref<128x1xf32, #tpu.memory_space<vmem>>, vector<128x1xf32>
    %add3A_71 = vector.broadcast %get3A_70 : vector<128x1xf32> to vector<128x2048xf32>
    %add3A_72 = arith.addf %dot_general3A_67, %add3A_71 : vector<128x2048xf32>
    %get3A_73 = arith.constant 0 : index
    %get3A_74 = arith.constant 0 : index
    %get3A_75 = vector.load %arg10[%get3A_73, %get3A_74] : memref<128x1xf32, #tpu.memory_space<vmem>>, vector<128x1xf32>
    %get3A_76 = arith.constant 0 : index
    %get3A_77 = arith.constant 0 : index
    %get3A_78 = vector.load %arg11[%get3A_76, %get3A_77] : memref<128x1xf32, #tpu.memory_space<vmem>>, vector<128x1xf32>
    %reduce_sum3A_79 = arith.constant dense<0.000000e+00> : vector<2048xf32>
    %reduce_sum3A_80 = vector.multi_reduction <add>, %add3A_72, %reduce_sum3A_79 [0] : vector<128x2048xf32> to vector<2048xf32>
    %broadcast_in_dim3A_81 = vector.shape_cast %reduce_sum3A_80 : vector<2048xf32> to vector<1x2048xf32>
    %div3A_82 = arith.constant 1.280000e+02 : f32
    %div3A_83 = vector.broadcast %div3A_82 : f32 to vector<1x2048xf32>
    %div3A_84 = arith.divf %broadcast_in_dim3A_81, %div3A_83 : vector<1x2048xf32>
    %sub3A_85 = vector.broadcast %div3A_84 : vector<1x2048xf32> to vector<128x2048xf32>
    %sub3A_86 = arith.subf %add3A_72, %sub3A_85 : vector<128x2048xf32>
    %integer_pow3A_87 = arith.mulf %sub3A_86, %sub3A_86 : vector<128x2048xf32>
    %reduce_sum3A_88 = arith.constant dense<0.000000e+00> : vector<2048xf32>
    %reduce_sum3A_89 = vector.multi_reduction <add>, %integer_pow3A_87, %reduce_sum3A_88 [0] : vector<128x2048xf32> to vector<2048xf32>
    %broadcast_in_dim3A_90 = vector.shape_cast %reduce_sum3A_89 : vector<2048xf32> to vector<1x2048xf32>
    %div3A_91 = arith.constant 1.280000e+02 : f32
    %div3A_92 = vector.broadcast %div3A_91 : f32 to vector<1x2048xf32>
    %div3A_93 = arith.divf %broadcast_in_dim3A_90, %div3A_92 : vector<1x2048xf32>
    %sub3A_94 = vector.broadcast %div3A_84 : vector<1x2048xf32> to vector<128x2048xf32>
    %sub3A_95 = arith.subf %add3A_72, %sub3A_94 : vector<128x2048xf32>
    %mul3A_96 = vector.broadcast %get3A_75 : vector<128x1xf32> to vector<128x2048xf32>
    %mul3A_97 = arith.mulf %mul3A_96, %sub3A_95 : vector<128x2048xf32>
    %add3A_98 = arith.constant 9.99999974E-6 : f32
    %add3A_99 = vector.broadcast %add3A_98 : f32 to vector<1x2048xf32>
    %add3A_100 = arith.addf %div3A_93, %add3A_99 : vector<1x2048xf32>
    %sqrt3A_101 = math.sqrt %add3A_100 : vector<1x2048xf32>
    %div3A_102 = vector.broadcast %sqrt3A_101 : vector<1x2048xf32> to vector<128x2048xf32>
    %div3A_103 = arith.divf %mul3A_97, %div3A_102 : vector<128x2048xf32>
    %add3A_104 = vector.broadcast %get3A_78 : vector<128x1xf32> to vector<128x2048xf32>
    %add3A_105 = arith.addf %div3A_103, %add3A_104 : vector<128x2048xf32>
    %max3A_106 = arith.constant 0.000000e+00 : f32
    %max3A_107 = vector.broadcast %max3A_106 : f32 to vector<128x2048xf32>
    %max3A_108 = arith.maximumf %add3A_105, %max3A_107 : vector<128x2048xf32>
    %get3A_109 = arith.constant 0 : index
    %get3A_110 = arith.constant 0 : index
    %get3A_111 = vector.load %arg12[%get3A_109, %get3A_110] : memref<2x128xf32, #tpu.memory_space<vmem>>, vector<2x128xf32>
    %dot_general3A_112 = arith.constant dense<0.000000e+00> : vector<2x2048xf32>
    %dot_general3A_113 = tpu.matmul %get3A_111, %max3A_108, %dot_general3A_112 {dimension_numbers = #tpu.dot_dimension_numbers<[1], [0], [0], [1], [0, 0, 1, 1], [], []>, transpose_lhs_hint = false} : vector<2x128xf32>, vector<128x2048xf32>, vector<2x2048xf32> -> vector<2x2048xf32>
    %get3A_114 = arith.constant 0 : index
    %get3A_115 = arith.constant 0 : index
    %get3A_116 = vector.load %arg13[%get3A_114, %get3A_115] : memref<2x1xf32, #tpu.memory_space<vmem>>, vector<2x1xf32>
    %add3A_117 = vector.broadcast %get3A_116 : vector<2x1xf32> to vector<2x2048xf32>
    %add3A_118 = arith.addf %dot_general3A_113, %add3A_117 : vector<2x2048xf32>
    %swap3A = arith.constant 0 : index
    %swap3A_119 = arith.constant 0 : index
    %swap3A_120 = vector.load %arg16[%swap3A, %swap3A_119] : memref<2x2048xf32, #tpu.memory_space<vmem>>, vector<2x2048xf32>
    tpu.vector_store %arg16[%swap3A, %swap3A_119], %add3A_118 {strides = array<i32>} : memref<2x2048xf32, #tpu.memory_space<vmem>>, vector<2x2048xf32>,
    return
  }
  func.func @transform_0(%arg0: i32) -> (i32, i32) {
    %c0_i32 = arith.constant 0 : i32
    %c0_i32_0 = arith.constant 0 : i32
    return %c0_i32, %arg0 : i32, i32
  }
  func.func @transform_1(%arg0: i32) -> (i32, i32) {
    %c0_i32 = arith.constant 0 : i32
    %c0_i32_0 = arith.constant 0 : i32
    return %c0_i32, %arg0 : i32, i32
  }
  func.func @transform_2(%arg0: i32) -> (i32, i32) {
    %c0_i32 = arith.constant 0 : i32
    %c0_i32_0 = arith.constant 0 : i32
    %c0_i32_1 = arith.constant 0 : i32
    return %c0_i32, %c0_i32_0 : i32, i32
  }
  func.func @transform_3(%arg0: i32) -> (i32, i32) {
    %c0_i32 = arith.constant 0 : i32
    %c0_i32_0 = arith.constant 0 : i32
    %c0_i32_1 = arith.constant 0 : i32
    return %c0_i32, %c0_i32_0 : i32, i32
  }
  func.func @transform_4(%arg0: i32) -> (i32, i32) {
    %c0_i32 = arith.constant 0 : i32
    %c0_i32_0 = arith.constant 0 : i32
    %c0_i32_1 = arith.constant 0 : i32
    return %c0_i32, %c0_i32_0 : i32, i32
  }
  func.func @transform_5(%arg0: i32) -> (i32, i32) {
    %c0_i32 = arith.constant 0 : i32
    %c0_i32_0 = arith.constant 0 : i32
    %c0_i32_1 = arith.constant 0 : i32
    return %c0_i32, %c0_i32_0 : i32, i32
  }
  func.func @transform_6(%arg0: i32) -> (i32, i32) {
    %c0_i32 = arith.constant 0 : i32
    %c0_i32_0 = arith.constant 0 : i32
    %c0_i32_1 = arith.constant 0 : i32
    return %c0_i32, %c0_i32_0 : i32, i32
  }
  func.func @transform_7(%arg0: i32) -> (i32, i32) {
    %c0_i32 = arith.constant 0 : i32
    %c0_i32_0 = arith.constant 0 : i32
    %c0_i32_1 = arith.constant 0 : i32
    return %c0_i32, %c0_i32_0 : i32, i32
  }
  func.func @transform_8(%arg0: i32) -> (i32, i32) {
    %c0_i32 = arith.constant 0 : i32
    %c0_i32_0 = arith.constant 0 : i32
    %c0_i32_1 = arith.constant 0 : i32
    return %c0_i32, %c0_i32_0 : i32, i32
  }
  func.func @transform_9(%arg0: i32) -> (i32, i32) {
    %c0_i32 = arith.constant 0 : i32
    %c0_i32_0 = arith.constant 0 : i32
    %c0_i32_1 = arith.constant 0 : i32
    return %c0_i32, %c0_i32_0 : i32, i32
  }
  func.func @transform_10(%arg0: i32) -> (i32, i32) {
    %c0_i32 = arith.constant 0 : i32
    %c0_i32_0 = arith.constant 0 : i32
    %c0_i32_1 = arith.constant 0 : i32
    return %c0_i32, %c0_i32_0 : i32, i32
  }
  func.func @transform_11(%arg0: i32) -> (i32, i32) {
    %c0_i32 = arith.constant 0 : i32
    %c0_i32_0 = arith.constant 0 : i32
    %c0_i32_1 = arith.constant 0 : i32
    return %c0_i32, %c0_i32_0 : i32, i32
  }
  func.func @transform_12(%arg0: i32) -> (i32, i32) {
    %c0_i32 = arith.constant 0 : i32
    %c0_i32_0 = arith.constant 0 : i32
    %c0_i32_1 = arith.constant 0 : i32
    return %c0_i32, %c0_i32_0 : i32, i32
  }
  func.func @transform_13(%arg0: i32) -> (i32, i32) {
    %c0_i32 = arith.constant 0 : i32
    %c0_i32_0 = arith.constant 0 : i32
    %c0_i32_1 = arith.constant 0 : i32
    return %c0_i32, %c0_i32_0 : i32, i32
  }
  func.func @transform_14(%arg0: i32) -> (i32, i32) {
    %c0_i32 = arith.constant 0 : i32
    %c0_i32_0 = arith.constant 0 : i32
    %c0_i32_1 = arith.constant 0 : i32
    return %c0_i32, %c0_i32_0 : i32, i32
  }
  func.func @transform_15(%arg0: i32) -> (i32, i32) {
    %c0_i32 = arith.constant 0 : i32
    %c0_i32_0 = arith.constant 0 : i32
    return %c0_i32, %arg0 : i32, i32
  }
}

</mosaic_0001>

<sc_bundles>
// kernel: kernel.4.cloned.1.call-start
scs
__scs_entry_jumppad:
0x0: {  	(pc) =	sbr.rel $0x88, $3  }
0x1: {  	(tag) =	ssettag $0x0;
	lr =	simm.s32 $0x1  }
0x2: {  	[smem:$0x3F93] =	sst lr;
	_ =	strace $0xD0000000  }
0x3: {  	_ = 	snop  }
0x4: {  	_ = 	snop  }
0x5: {  	_ = 	snop  }
0x6: {  	_ = 	snop  }
0x7: {  	_ = 	snop  }
__scs_overlays_trampoline_lowered:
0x8: {  	[smem:$0x3FA2] =	sst s0  }
0x9: {  	[smem:$0x3FA3] =	sst s1  }
0xa: {  	[smem:$0x3FA4] =	sst s2  }
0xb: {  	[smem:$0x3FA5] =	sst s3  }
0xc: {  	[smem:$0x3FA6] =	sst s4  }
0xd: {  	[smem:$0x3FA7] =	sst s5  }
0xe: {  	[smem:$0x3FA8] =	sst s6  }
0xf: {  	[smem:$0x3FA9] =	sst s7  }
0x10: {  	[smem:$0x3FAA] =	sst s8  }
0x11: {  	[smem:$0x3FAB] =	sst s9;
	s0 =	simm.s32 @!p0 $0x0  }
0x12: {  	s1 =	sld [smem:$0x3F91];
	s0 =	simm.s32 @p0 $0x1  }
0x13: {  	[smem:$0x3FAC] =	sst s0;
	s0 =	simm.s32 @!p1 $0x0  }
0x14: {  	s2 =	sld [smem:$0x3F90];
	s0 =	simm.s32 @p1 $0x1  }
0x15: {  	[smem:$0x3FAD] =	sst s0;
	s0 =	simm.s32 @!p2 $0x0  }
0x16: {  	s3 =	sld [smem:$0x3FDB];
	s0 =	simm.s32 @p2 $0x1  }
0x17: {  	s4 =	simm.s32 $0x1BF5;
	[smem:$0x3FAF] =	sst s0  }
0x18: {  	s0 =	sld [smem:$0x3F92];
	_ =	swait.ge [sflag:s4], $0x0  }
0x19: {  	s7 =	sld [smem:$0x3F93]  }
0x1a: {  	s8 =	sadd.s32 $0xFFFFE003, lr  }
0x1b: {  	s9 =	sadd.s32 $0xFFFFFEF7, lr;
	s5 =	simm.s32 $0xFFFFFFFF;
	p2 =	slt.u32 s8, $0xFFFFF086  }
0x1c: {  	p1 =	slt.u32 s9, $0xF7A;
	s5 =	simm.s32 @!p2 $0x0  }
0x1d: {  	s5 =	simm.s32 @p1 $0x1;
	p0 =	seq.s32 s7, s2  }
0x1e: {  	s7 =	smul.u32 @!p0 $0xF7A, s2;
	p2 =	seq.s32 @!p0 s5, $0x0  }
0x1f: {  	s9 =	smul.u32 $0xF7A, s1;
	s8 =	simm.s32 @!p0 $0x1BF5;
	p2 =	por !p2, p0  }
0x20: {  	[sflag:s8] =	ssyncset.s32 @!p0 $0xFFFFF086;
	s6 =	sadd.s32 @!p0 s3, s7;
	s7 =	simm.s32 @!p0 $0x108  }
0x21: {  	s3 =	sadd.s32 s3, s9;
	s6 =	sadd.s32 @!p0 $0x88, s6;
	s7 =	simm.s32 @p2 $0x1082  }
0x22: {  	[simem:s7], [sflag:s8] =	dma.local @!p0 [hbm:s6], $0xF7A  }
0x23: {  	s9 =	sor.u32 $0xD0000000, s2;
	s6 =	simm.s32 $0x108;
	_ =	swait.ge @!p0 [sflag:s8], $0x0  }
0x24: {  	s3 =	sadd.s32 $0x88, s3;
	s6 =	simm.s32 @!p1 $0x1082;
	[sflag:s4] =	ssyncset.s32 $0xFFFFF086  }
0x25: {  	[simem:s6], [sflag:s4] =	dma.local [hbm:s3], $0xF7A  }
0x26: {  	[smem:$0x3F93] =	sst s1;
	(tag) =	ssettag s2;
	_ =	strace s9  }
0x27: {  	s1 =	sld [smem:$0x3FA3]  }
0x28: {  	s2 =	sld [smem:$0x3FA4]  }
0x29: {  	s4 =	sld [smem:$0x3FA6]  }
0x2a: {  	p0 =	seq.s32 s5, $0x0;
	s5 =	sld [smem:$0x3FA7]  }
0x2b: {  	s6 =	sld [smem:$0x3FA8]  }
0x2c: {  	s7 =	sld [smem:$0x3FA9]  }
0x2d: {  	s3 =	simm.s32 $0x108;
	s8 =	sld [smem:$0x3FAA]  }
0x2e: {  	s3 =	simm.s32 @!p0 $0x1082;
	s9 =	sld [smem:$0x3FAB]  }
0x2f: {  	lr =	sadd.s32 s0, s3;
	s0 =	sld [smem:$0x3FA2]  }
0x30: {  	s3 =	sld [smem:$0x3FA5]  }
0x31: {  	[smem:$0x3FAE] =	sst s10  }
0x32: {  	s10 =	sld [smem:$0x3FAC];
	_ =	sdelay $0x3  }
0x33: {  	p0 =	seq.s32 s10, $0x1;
	s10 =	sld [smem:$0x3FAE];
	_ =	sdelay $0x3  }
0x34: {  	[smem:$0x3FAE] =	sst s10  }
0x35: {  	s10 =	sld [smem:$0x3FAD];
	_ =	sdelay $0x3  }
0x36: {  	p1 =	seq.s32 s10, $0x1;
	s10 =	sld [smem:$0x3FAE];
	_ =	sdelay $0x3  }
0x37: {  	[smem:$0x3FAE] =	sst s10  }
0x38: {  	s10 =	sld [smem:$0x3FAF]  }
0x39: {  	_ = 	snop;
	(pc) =	sbr.ind lr, $3  }
0x3a: {  	_ = 	snop  }
0x3b: {  	_ = 	snop  }
0x3c: {  	p2 =	seq.s32 s10, $0x1;
	s10 =	sld [smem:$0x3FAE]  }
0x3d: {  	_ =	shalt  }
0x3e: {  	_ =	shalt  }
0x3f: {  	_ =	shalt  }
0x40: {  	_ =	shalt  }
0x41: {  	_ =	shalt  }
0x42: {  	_ =	shalt  }
0x43: {  	_ =	shalt  }
0x44: {  	_ =	shalt  }
0x45: {  	_ =	shalt  }
0x46: {  	_ =	shalt  }
0x47: {  	_ =	shalt  }
0x48: {  	_ =	shalt  }
0x49: {  	_ =	shalt  }
0x4a: {  	_ =	shalt  }
0x4b: {  	_ =	shalt  }
0x4c: {  	_ =	shalt  }
0x4d: {  	_ =	shalt  }
0x4e: {  	_ =	shalt  }
0x4f: {  	_ =	shalt  }
0x50: {  	_ =	shalt  }
0x51: {  	_ =	shalt  }
0x52: {  	_ =	shalt  }
0x53: {  	_ =	shalt  }
0x54: {  	_ =	shalt  }
0x55: {  	_ =	shalt  }
0x56: {  	_ =	shalt  }
0x57: {  	_ =	shalt  }
0x58: {  	_ =	shalt  }
0x59: {  	_ =	shalt  }
0x5a: {  	_ =	shalt  }
0x5b: {  	_ =	shalt  }
0x5c: {  	_ =	shalt  }
0x5d: {  	_ =	shalt  }
0x5e: {  	_ =	shalt  }
0x5f: {  	_ =	shalt  }
0x60: {  	_ =	shalt  }
0x61: {  	_ =	shalt  }
0x62: {  	_ =	shalt  }
0x63: {  	_ =	shalt  }
0x64: {  	_ =	shalt  }
0x65: {  	_ =	shalt  }
0x66: {  	_ =	shalt  }
0x67: {  	_ =	shalt  }
0x68: {  	_ =	shalt  }
0x69: {  	_ =	shalt  }
0x6a: {  	_ =	shalt  }
0x6b: {  	_ =	shalt  }
0x6c: {  	_ =	shalt  }
0x6d: {  	_ =	shalt  }
0x6e: {  	_ =	shalt  }
0x6f: {  	_ =	shalt  }
0x70: {  	_ =	shalt  }
0x71: {  	_ =	shalt  }
0x72: {  	_ =	shalt  }
0x73: {  	_ =	shalt  }
0x74: {  	_ =	shalt  }
0x75: {  	_ =	shalt  }
0x76: {  	_ =	shalt  }
0x77: {  	_ =	shalt  }
0x78: {  	_ =	shalt  }
0x79: {  	_ =	shalt  }
0x7a: {  	_ =	shalt  }
0x7b: {  	_ =	shalt  }
0x7c: {  	_ =	shalt  }
0x7d: {  	_ =	shalt  }
0x7e: {  	_ =	shalt  }
0x7f: {  	_ =	shalt  }
0x80: {  	_ =	shalt  }
0x81: {  	_ =	shalt  }
0x82: {  	_ =	shalt  }
0x83: {  	_ =	shalt  }
0x84: {  	_ =	shalt  }
0x85: {  	_ =	shalt  }
0x86: {  	_ =	shalt  }
0x87: {  	_ =	shalt  }
.Lfunc_end0:
.L_simem_size_0:
called_computation_lowered:
.L_overlay_start_0:
0x88: {  	s2 =	sld [smem:$0x3FD9]  }
0x89: {  	s3 =	sld [smem:$0x3FFE];
	_ =	sdelay $0x1  }
0x8a: {  	s1 =	srdreg.scid  }
0x8b: {  	s0 =	sand.u32 $0x1, s1  }
0x8c: {  	s17 =	sshll.u32 s0, $0xA;
	s2 =	sadd.s32 s3, s2  }
0x8d: {  	s2 =	sadd.s32 s2, s17  }
0x8e: {  	[smem:$0x3FBA] =	sst s2  }
0x8f: {  	_ = 	snop  }
0x90: {  	s2 =	sld [smem:$0x3FC8];
	(tm) =	ssettm $0x1  }
0x91: {  	s18 =	sld [smem:$0x3FFB];
	_ =	sdelay $0x3  }
0x92: {  	_ =	strace s18  }
0x93: {  	s3 =	sld [smem:$0x3FFC];
	_ =	sdelay $0x3  }
0x94: {  	_ =	strace s3  }
0x95: {  	s3 =	sld [smem:$0x3FFD];
	_ =	sdelay $0x3  }
0x96: {  	_ =	strace s3  }
0x97: {  	_ =	strace $0x8FFFFFFF  }
0x98: {  	s19 =	sld [smem:$0x3FDB];
	_ =	sdelay $0x1  }
0x99: {  	s4 =	simm.s32 $_scs_section_size  }
0x9a: {  	s5 =	simm.s32 $_size__tile_overlayer_lowered;
	s6 =	simm.s32 $_tile_overlayer_lowered  }
0x9b: {  	s22 =	simm.s32 $0x1BFF;
	s21 =	sshll.u32 s6, $0x1;
	s3 =	sadd.s32 s4, s19  }
0x9c: {  	s7 =	simm.s32 $0x0;
	s20 =	sshll.u32 s5, $0x1;
	s5 =	sadd.s32 s21, s3  }
0x9d: {  	[timem:s7], [sflag:s22] =	dma.local [hbm:s5], s20  }
0x9e: {  	_ =	swait.ge [sflag:s22], s20  }
0x9f: {  	s4 =	ssub.s32 $0x0, s20;
	[sflag:s22] =	ssyncset.done $0x0  }
0xa0: {  	[sflag:s22] =	ssyncadd.s32 s4;
	_ =	sdelay $0x1  }
0xa1: {  	s23 =	simm.s32 $0x1B8B  }
0xa2: {  	_ =	swait.ge [sflag:s23], $0x1  }
0xa3: {  	[sflag:s23] =	ssyncset.done $0x0  }
0xa4: {  	s25 =	simm.s32 $0x1B8E;
	s24 =	sld [smem:$0x3FFE];
	[sflag:s23] =	ssyncadd.s32 $0xFFFFFFFF  }
0xa5: {  	s26 =	simm.s32 $execute0_lowered;
	[smem:$0x3FD2] =	sst s25  }
0xa6: {  	s5 =	sshll.u32 s26, $0x1;
	_ =	strace $0x80000046;
	[dreg:$0x1] =	wrdreg $0xFFFFFFFF  }
0xa7: {  	s28 =	simm.s32 $_size_execute0_lowered;
	s3 =	sadd.s32 s3, s5;
	[dreg:$0x0] =	wrdreg $0x0  }
0xa8: {  	s5 =	sshll.u32 s28, $0x1;
	[dreg:$0x2] =	wrdreg s3  }
0xa9: {  	[dreg:$0x3] =	wrdreg s5  }
0xaa: {  	[dreg:$0x4] =	wrdreg $0xC0  }
0xab: {  	_ =	task [dreg:s7], $0x5FFFF  }
0xac: {  	[dreg:$0x1] =	wrdreg $0xFFFFFFFF  }
0xad: {  	[dreg:$0x0] =	wrdreg $0x60  }
0xae: {  	[dreg:$0x2] =	wrdreg s2  }
0xaf: {  	[dreg:$0x3] =	wrdreg s24  }
0xb0: {  	[dreg:$0x4] =	wrdreg $0x9  }
0xb1: {  	_ =	task.clear_ibuf [dreg:s7], $0x5FFFF;
	_ =	strace $0x90000046  }
0xb2: {  	s29 =	simm.s32 $0x9;
	_ =	strace $0x80000048  }
0xb3: {  	_ =	swait.ge [sflag:s29], $0x1  }
0xb4: {  	[sflag:s29] =	ssyncadd.s32 $0xFFFFFFFF  }
0xb5: {  	_ =	strace $0x90000048  }
0xb6: {  	_ =	sfence  }
0xb7: {  	s30 =	sld [smem:$0x0];
	_ =	sdelay $0x2  }
0xb8: {  	s31 =	sshll.u32 s1, $0xD;
	s1 =	sshrl.u32 s1, $0x2  }
0xb9: {  	s3 =	sand.u32 $0x4000, s31;
	s1 =	sadd.s32 s1, s30  }
0xba: {  	s0 =	sor.u32 s3, s0;
	s1 =	sshll.u32 s1, $0x11  }
0xbb: {  	s0 =	sor.u32 s1, s0  }
0xbc: {  	s0 =	sadd.s32 $0x8F2B, s0  }
0xbd: {  	[sflag:s0] =	ssyncadd.remote.s32 $0x1  }
0xbe: {  	_ =	sfence.sel $0xFFFF  }
0xbf: {  	[dreg:$0x0] =	wrdreg $0xFFFFFFFF;
	(pc) =	sbr.abs _section_cstart, $3  }
0xc0: {  	[dreg:$0x1] =	wrdreg $0xFFFFFFFF  }
0xc1: {  	_ =	task.clear_ibuf [dreg:s7], $0x2FFFF;
	_ =	strace $0x9FFFFFFF  }
0xc2: {  	(tm) =	ssettm $0x7FFFFFFF  }
0xc3: {  	_ =	shalt  }
tec
execute0_lowered:
.L_overlay_start_1:
0x0: {  	(tag) =	ssettag $0x1  }
0x1: {  	s1 =	rddreg [dreg:$0x0]  }
0x2: {  	s9 =	rddreg [dreg:$0x1]  }
0x3: {  	s0 =	rddreg [dreg:$0x2];
	s2 =	simm.s32 $0x0  }
0x4: {  	s3 =	srdreg.scid;
	s12 =	simm.s32 $0x400;
	s13 =	simm.s32 $0x1  }
0x5: {  	s14 =	simm.s32 $0x1C700;
	s15 =	simm.s32 $0x1D700;
	s16 =	simm.s32 $0x2  }
0x6: {  	s17 =	simm.s32 $0x0;
	[smem:$0x7FF] =	sst s2;
	s6 =	sand.u32 $0x1, s3  }
0x7: {  	s3 =	stileid.u32;
	s4 =	sadd.s32 $0x2200, s9;
	s7 =	ssub.s32 $0x2, s6  }
0x8: {  	s5 =	sadd.s32 $0x12200, s9;
	s10 =	sshll.u32 s3, $0x1;
	s8 =	sshrl.u32 s7, $0x1  }
0x9: {  	_ =	strace $0x80000047;
	s6 =	sor.u32 s6, s10;
	s11 =	ssub.s32 s7, s8  }
0xa: {  	s6 =	smul.u32 $0xD, s6;
	s7 =	sadd.s32 $0x13200, s9;
	s8 =	sadd.s32 $0x14200, s9  }
0xb: {  	s9 =	sadd.s32 $0x15200, s9;
	s10 =	smax.u32 s11, $0x1;
	s11 =	simm.s32 $0x80  }
.LBB2_1:
0xc: {  	s19 =	simm.s32 $0xFFFFFFFF;
	s18 =	simm.s32 $0x0  }
.LBB2_2:
0xd: {  	s20 =	sadd.s32 s6, s18  }
0xe: {  	s22 =	smov.u32 s19;
	s19 =	sshrl.u32 s20, $0x4;
	s21 =	sshll.u32 s20, $0x1C  }
0xf: {  	s23 =	smul.u32 $0x187000, s19;
	s21 =	sshra.s32 s21, $0x1F  }
0x10: {  	s24 =	sshll.u32 s20, $0x7;
	s21 =	sand.u32 $0xC3800, s21  }
0x11: {  	s23 =	sadd.s32 s23, s21;
	s21 =	sand.u32 $0x380, s24  }
0x12: {  	s23 =	sor.u32 s21, s23  }
0x13: {  	s23 =	sshrl.u32 s23, $0x3  }
0x14: {  	p0 =	seq.s32 s19, s22;
	s23 =	sadd.s32 s1, s23  }
0x15: {  	[tilespmem:s2], [sflag:$0x1] =	stream.strided.gather [hbm4b:s23+s11], $0x18700, s12, s11, $0x38;
	[tilespmem:$0x1E700] =	vst v63  }
0x16: {  	s22 =	sshll.u32 @!p0 s19, $0xB;
	s23 =	sand.u32 @!p0 $0x70, s20  }
0x17: {  	s25 =	simm.s32 @!p0 $0x18700;
	s22 =	sand.u32 @!p0 $0xFFFC000, s22;
	s23 =	sadd.s32 @!p0 s4, s23  }
0x18: {  	s24 =	simm.s32 @!p0 $0x400;
	s22 =	sadd.s32 @!p0 s22, s23;
	s23 =	simm.s32 @!p0 $0x80  }
0x19: {  	[tilespmem:s25], [sflag:$0x3] =	stream.strided.gather @!p0 [hbm4b:s22+s23], $0x4000, s24, s23, $0x38;
	[tilespmem:$0x1E700] =	vst v63  }
0x1a: {  	s22 =	simm.s32 @!p0 $0x3  }
0x1b: {  	_ =	swait.ge @!p0 [sflag:s22], $0x4000  }
0x1c: {  	[sflag:s22] =	ssyncset.done @!p0 $0x0  }
0x1d: {  	[sflag:s22] =	ssyncadd.s32 @!p0 $0xFFFFC000  }
0x1e: {  	_ =	swait.ge [sflag:s13], $0x18700  }
0x1f: {  	[sflag:s13] =	ssyncset.done $0x0  }
0x20: {  	s31 =	simm.s32 $0x18740;
	[sflag:s13] =	ssyncadd.s32 $0xFFFE7900  }
0x21: {  	v0 =	vld [tilespmem:s31+$0x30]  }
0x22: {  	v1 =	vld [tilespmem:s31+$0xFFFFFFD0]  }
0x23: {  	v2 =	vld [tilespmem:s31+$0xFFFFFFE0]  }
0x24: {  	v3 =	vld [tilespmem:s31+$0xFFFFFFF0]  }
0x25: {  	v6 =	vld [tilespmem:s31+$0x0]  }
0x26: {  	v7 =	vld [tilespmem:s31+$0x10]  }
0x27: {  	v8 =	vld [tilespmem:s31+$0x20]  }
0x28: {  	v9 =	vld [tilespmem:s31+$0xFFFFFFC0]  }
0x29: {  	v10 =	vld.idx.msk [tilespmem:v0+s2+$0x0], $0xffff  }
0x2a: {  	v11 =	vld.idx.msk [tilespmem:v1+s2+$0x0], $0xffff  }
0x2b: {  	v5 =	vld.idx.msk [tilespmem:v2+s2+$0x0], $0xffff  }
0x2c: {  	v4 =	vld.idx.msk [tilespmem:v3+s2+$0x0], $0xffff  }
0x2d: {  	v3 =	vld.idx.msk [tilespmem:v6+s2+$0x0], $0xffff  }
0x2e: {  	s22 =	simm.s32 $0x1C740;
	v1 =	vld.idx.msk [tilespmem:v7+s2+$0x0], $0xffff  }
0x2f: {  	v0 =	vld.idx.msk [tilespmem:v8+s2+$0x0], $0xffff;
	[tilespmem:s22+$0x30] =	vst v10  }
0x30: {  	s23 =	simm.s32 $0x0;
	s24 =	simm.s32 $0x187C0;
	v2 =	vld.idx.msk [tilespmem:v9+s2+$0x0], $0xffff;
	[tilespmem:s22+$0xFFFFFFD0] =	vst v11  }
.LBB2_3:
0x31: {  	v6 =	vld [tilespmem:s24+$0x30];
	s23 =	sadd.s32 $0x80, s23;
	[tilespmem:s22+$0xFFFFFFE0] =	vst v5  }
0x32: {  	v5 =	vld [tilespmem:s24+$0xFFFFFFD0];
	p0 =	slt.u32 s23, $0xF80;
	[tilespmem:s22+$0xFFFFFFF0] =	vst v4  }
0x33: {  	v4 =	vld [tilespmem:s24+$0xFFFFFFE0];
	[tilespmem:s22+$0x0] =	vst v3  }
0x34: {  	v3 =	vld [tilespmem:s24+$0xFFFFFFF0];
	[tilespmem:s22+$0x10] =	vst v1  }
0x35: {  	v1 =	vld [tilespmem:s24+$0x0];
	[tilespmem:s22+$0x20] =	vst v0  }
0x36: {  	v0 =	vld [tilespmem:s24+$0x10];
	[tilespmem:s22+$0xFFFFFFC0] =	vst v2  }
0x37: {  	v2 =	vld [tilespmem:s24+$0x20]  }
0x38: {  	v7 =	vld [tilespmem:s24+$0xFFFFFFC0]  }
0x39: {  	v6 =	vld.idx.msk [tilespmem:v6+s2+$0x0], $0xffff  }
0x3a: {  	v8 =	vld.idx.msk [tilespmem:v5+s2+$0x0], $0xffff  }
0x3b: {  	v5 =	vld.idx.msk [tilespmem:v4+s2+$0x0], $0xffff  }
.Ltmp0:
0x3c: {  	v4 =	vld.idx.msk [tilespmem:v3+s2+$0x0], $0xffff;
	(pc) =	sbr.rel @p0 .LBB2_3-.Ltmp0, $4  }
0x3d: {  	v3 =	vld.idx.msk [tilespmem:v1+s2+$0x0], $0xffff  }
0x3e: {  	s22 =	sadd.s32 $0x80, s22;
	v1 =	vld.idx.msk [tilespmem:v0+s2+$0x0], $0xffff  }
0x3f: {  	v0 =	vld.idx.msk [tilespmem:v2+s2+$0x0], $0xffff;
	[tilespmem:s22+$0x30] =	vst v6  }
0x40: {  	s24 =	sadd.s32 $0x80, s24;
	v2 =	vld.idx.msk [tilespmem:v7+s2+$0x0], $0xffff;
	[tilespmem:s22+$0xFFFFFFD0] =	vst v8  }
0x41: {  	[tilespmem:s22+$0xFFFFFFE0] =	vst v5  }
0x42: {  	[tilespmem:s22+$0xFFFFFFF0] =	vst v4;
	s20 =	sshll.u32 s20, $0xE  }
0x43: {  	[tilespmem:s22+$0x0] =	vst v3;
	s20 =	sand.u32 $0x7FFE0000, s20  }
0x44: {  	[tilespmem:s22+$0x10] =	vst v1;
	s20 =	sor.u32 s21, s20  }
0x45: {  	[tilespmem:s22+$0x20] =	vst v0;
	s20 =	sshrl.u32 s20, $0x3  }
0x46: {  	s31 =	simm.s32 $0x19770;
	[tilespmem:s22+$0xFFFFFFC0] =	vst v2;
	s30 =	sadd.s32 s5, s20  }
0x47: {  	[hbm4b:s30+s11] =	stream.strided.scatter [tilespmem:s14], [sflag:$0x2], $0x1000, s12, s11, $0x38;
	[tilespmem:$0x1E700] =	vst v63  }
0x48: {  	v0 =	vld [tilespmem:s31+$0x0]  }
0x49: {  	v1 =	vld [tilespmem:s31+$0xFFFFFFA0]  }
0x4a: {  	v2 =	vld [tilespmem:s31+$0xFFFFFFB0]  }
0x4b: {  	v3 =	vld [tilespmem:s31+$0xFFFFFFC0]  }
0x4c: {  	v4 =	vld [tilespmem:s31+$0xFFFFFFD0]  }
0x4d: {  	v6 =	vld [tilespmem:s31+$0xFFFFFFE0]  }
0x4e: {  	v7 =	vld [tilespmem:s31+$0xFFFFFFF0]  }
0x4f: {  	v8 =	vld [tilespmem:s31+$0xFFFFFF90]  }
0x50: {  	v9 =	vld.idx.msk [tilespmem:v0+s2+$0x0], $0xffff  }
0x51: {  	v10 =	vld.idx.msk [tilespmem:v1+s2+$0x0], $0xffff  }
0x52: {  	v5 =	vld.idx.msk [tilespmem:v2+s2+$0x0], $0xffff  }
0x53: {  	v3 =	vld.idx.msk [tilespmem:v3+s2+$0x0], $0xffff  }
0x54: {  	v0 =	vld.idx.msk [tilespmem:v4+s2+$0x0], $0xffff  }
0x55: {  	s21 =	simm.s32 $0x1D740;
	v1 =	vld.idx.msk [tilespmem:v6+s2+$0x0], $0xffff  }
0x56: {  	v2 =	vld.idx.msk [tilespmem:v7+s2+$0x0], $0xffff;
	[tilespmem:s21+$0x30] =	vst v9  }
0x57: {  	s23 =	simm.s32 $0x197F0;
	s22 =	simm.s32 $0x0;
	v4 =	vld.idx.msk [tilespmem:v8+s2+$0x0], $0xffff;
	[tilespmem:s21+$0xFFFFFFD0] =	vst v10  }
.LBB2_5:
0x58: {  	v6 =	vld [tilespmem:s23+$0x0];
	s22 =	sadd.s32 $0x80, s22;
	[tilespmem:s21+$0xFFFFFFE0] =	vst v5  }
0x59: {  	v5 =	vld [tilespmem:s23+$0xFFFFFFA0];
	p0 =	slt.u32 s22, $0xF80;
	[tilespmem:s21+$0xFFFFFFF0] =	vst v3  }
0x5a: {  	v3 =	vld [tilespmem:s23+$0xFFFFFFB0];
	[tilespmem:s21+$0x0] =	vst v0  }
0x5b: {  	v0 =	vld [tilespmem:s23+$0xFFFFFFC0];
	[tilespmem:s21+$0x10] =	vst v1  }
0x5c: {  	v1 =	vld [tilespmem:s23+$0xFFFFFFD0];
	[tilespmem:s21+$0x20] =	vst v2  }
0x5d: {  	v2 =	vld [tilespmem:s23+$0xFFFFFFE0];
	[tilespmem:s21+$0xFFFFFFC0] =	vst v4  }
0x5e: {  	v4 =	vld [tilespmem:s23+$0xFFFFFFF0]  }
0x5f: {  	v7 =	vld [tilespmem:s23+$0xFFFFFF90]  }
0x60: {  	v6 =	vld.idx.msk [tilespmem:v6+s2+$0x0], $0xffff  }
0x61: {  	v8 =	vld.idx.msk [tilespmem:v5+s2+$0x0], $0xffff  }
0x62: {  	v5 =	vld.idx.msk [tilespmem:v3+s2+$0x0], $0xffff  }
.Ltmp1:
0x63: {  	v3 =	vld.idx.msk [tilespmem:v0+s2+$0x0], $0xffff;
	(pc) =	sbr.rel @p0 .LBB2_5-.Ltmp1, $4  }
0x64: {  	v0 =	vld.idx.msk [tilespmem:v1+s2+$0x0], $0xffff  }
0x65: {  	s21 =	sadd.s32 $0x80, s21;
	v1 =	vld.idx.msk [tilespmem:v2+s2+$0x0], $0xffff  }
0x66: {  	v2 =	vld.idx.msk [tilespmem:v4+s2+$0x0], $0xffff;
	[tilespmem:s21+$0x30] =	vst v6  }
0x67: {  	s23 =	sadd.s32 $0x80, s23;
	v4 =	vld.idx.msk [tilespmem:v7+s2+$0x0], $0xffff;
	[tilespmem:s21+$0xFFFFFFD0] =	vst v8  }
0x68: {  	[tilespmem:s21+$0xFFFFFFE0] =	vst v5  }
0x69: {  	[tilespmem:s21+$0xFFFFFFF0] =	vst v3  }
0x6a: {  	[tilespmem:s21+$0x0] =	vst v0  }
0x6b: {  	[tilespmem:s21+$0x10] =	vst v1  }
0x6c: {  	[tilespmem:s21+$0x20] =	vst v2  }
0x6d: {  	s30 =	sadd.s32 s20, s7;
	[tilespmem:s21+$0xFFFFFFC0] =	vst v4  }
0x6e: {  	[hbm4b:s30+s11] =	stream.strided.scatter [tilespmem:s15], [sflag:$0x2], $0x1000, s12, s11, $0x38;
	[tilespmem:$0x1E700] =	vst v63  }
0x6f: {  	_ =	swait.ge [sflag:s16], $0x1000  }
0x70: {  	[sflag:s16] =	ssyncset.done $0x0  }
0x71: {  	s31 =	simm.s32 $0x1A770;
	[sflag:s16] =	ssyncadd.s32 $0xFFFFF000  }
0x72: {  	v0 =	vld [tilespmem:s31+$0x0]  }
0x73: {  	v1 =	vld [tilespmem:s31+$0xFFFFFFA0]  }
0x74: {  	v2 =	vld [tilespmem:s31+$0xFFFFFFB0]  }
0x75: {  	v3 =	vld [tilespmem:s31+$0xFFFFFFC0]  }
0x76: {  	v4 =	vld [tilespmem:s31+$0xFFFFFFD0]  }
0x77: {  	v6 =	vld [tilespmem:s31+$0xFFFFFFE0]  }
0x78: {  	v7 =	vld [tilespmem:s31+$0xFFFFFFF0]  }
0x79: {  	v8 =	vld [tilespmem:s31+$0xFFFFFF90]  }
0x7a: {  	v9 =	vld.idx.msk [tilespmem:v0+s2+$0x0], $0xffff  }
0x7b: {  	v10 =	vld.idx.msk [tilespmem:v1+s2+$0x0], $0xffff  }
0x7c: {  	v5 =	vld.idx.msk [tilespmem:v2+s2+$0x0], $0xffff  }
0x7d: {  	v3 =	vld.idx.msk [tilespmem:v3+s2+$0x0], $0xffff  }
0x7e: {  	v0 =	vld.idx.msk [tilespmem:v4+s2+$0x0], $0xffff  }
0x7f: {  	s21 =	simm.s32 $0x1C740;
	v1 =	vld.idx.msk [tilespmem:v6+s2+$0x0], $0xffff  }
0x80: {  	v2 =	vld.idx.msk [tilespmem:v7+s2+$0x0], $0xffff;
	[tilespmem:s21+$0x30] =	vst v9  }
0x81: {  	s22 =	simm.s32 $0x0;
	s23 =	simm.s32 $0x1A7F0;
	v4 =	vld.idx.msk [tilespmem:v8+s2+$0x0], $0xffff;
	[tilespmem:s21+$0xFFFFFFD0] =	vst v10  }
.LBB2_7:
0x82: {  	v6 =	vld [tilespmem:s23+$0x0];
	s22 =	sadd.s32 $0x80, s22;
	[tilespmem:s21+$0xFFFFFFE0] =	vst v5  }
0x83: {  	v5 =	vld [tilespmem:s23+$0xFFFFFFA0];
	p0 =	slt.u32 s22, $0xF80;
	[tilespmem:s21+$0xFFFFFFF0] =	vst v3  }
0x84: {  	v3 =	vld [tilespmem:s23+$0xFFFFFFB0];
	[tilespmem:s21+$0x0] =	vst v0  }
0x85: {  	v0 =	vld [tilespmem:s23+$0xFFFFFFC0];
	[tilespmem:s21+$0x10] =	vst v1  }
0x86: {  	v1 =	vld [tilespmem:s23+$0xFFFFFFD0];
	[tilespmem:s21+$0x20] =	vst v2  }
0x87: {  	v2 =	vld [tilespmem:s23+$0xFFFFFFE0];
	[tilespmem:s21+$0xFFFFFFC0] =	vst v4  }
0x88: {  	v4 =	vld [tilespmem:s23+$0xFFFFFFF0]  }
0x89: {  	v7 =	vld [tilespmem:s23+$0xFFFFFF90]  }
0x8a: {  	v6 =	vld.idx.msk [tilespmem:v6+s2+$0x0], $0xffff  }
0x8b: {  	v8 =	vld.idx.msk [tilespmem:v5+s2+$0x0], $0xffff  }
0x8c: {  	v5 =	vld.idx.msk [tilespmem:v3+s2+$0x0], $0xffff  }
.Ltmp2:
0x8d: {  	v3 =	vld.idx.msk [tilespmem:v0+s2+$0x0], $0xffff;
	(pc) =	sbr.rel @p0 .LBB2_7-.Ltmp2, $4  }
0x8e: {  	v0 =	vld.idx.msk [tilespmem:v1+s2+$0x0], $0xffff  }
0x8f: {  	s21 =	sadd.s32 $0x80, s21;
	v1 =	vld.idx.msk [tilespmem:v2+s2+$0x0], $0xffff  }
0x90: {  	v2 =	vld.idx.msk [tilespmem:v4+s2+$0x0], $0xffff;
	[tilespmem:s21+$0x30] =	vst v6  }
0x91: {  	s23 =	sadd.s32 $0x80, s23;
	v4 =	vld.idx.msk [tilespmem:v7+s2+$0x0], $0xffff;
	[tilespmem:s21+$0xFFFFFFD0] =	vst v8  }
0x92: {  	[tilespmem:s21+$0xFFFFFFE0] =	vst v5  }
0x93: {  	[tilespmem:s21+$0xFFFFFFF0] =	vst v3  }
0x94: {  	[tilespmem:s21+$0x0] =	vst v0  }
0x95: {  	[tilespmem:s21+$0x10] =	vst v1  }
0x96: {  	[tilespmem:s21+$0x20] =	vst v2  }
0x97: {  	s30 =	sadd.s32 s20, s8;
	[tilespmem:s21+$0xFFFFFFC0] =	vst v4  }
0x98: {  	[hbm4b:s30+s11] =	stream.strided.scatter [tilespmem:s14], [sflag:$0x2], $0x1000, s12, s11, $0x38;
	[tilespmem:$0x1E700] =	vst v63  }
0x99: {  	_ =	swait.ge [sflag:s16], $0x1000  }
0x9a: {  	[sflag:s16] =	ssyncset.done $0x0  }
0x9b: {  	s31 =	simm.s32 $0x1B770;
	[sflag:s16] =	ssyncadd.s32 $0xFFFFF000  }
0x9c: {  	v0 =	vld [tilespmem:s31+$0x0]  }
0x9d: {  	v1 =	vld [tilespmem:s31+$0xFFFFFFA0]  }
0x9e: {  	v2 =	vld [tilespmem:s31+$0xFFFFFFB0]  }
0x9f: {  	v3 =	vld [tilespmem:s31+$0xFFFFFFC0]  }
0xa0: {  	v4 =	vld [tilespmem:s31+$0xFFFFFFD0]  }
0xa1: {  	v6 =	vld [tilespmem:s31+$0xFFFFFFE0]  }
0xa2: {  	v7 =	vld [tilespmem:s31+$0xFFFFFFF0]  }
0xa3: {  	v8 =	vld [tilespmem:s31+$0xFFFFFF90]  }
0xa4: {  	v9 =	vld.idx.msk [tilespmem:v0+s2+$0x0], $0xffff  }
0xa5: {  	v10 =	vld.idx.msk [tilespmem:v1+s2+$0x0], $0xffff  }
0xa6: {  	v5 =	vld.idx.msk [tilespmem:v2+s2+$0x0], $0xffff  }
0xa7: {  	v3 =	vld.idx.msk [tilespmem:v3+s2+$0x0], $0xffff  }
0xa8: {  	v0 =	vld.idx.msk [tilespmem:v4+s2+$0x0], $0xffff  }
0xa9: {  	s21 =	simm.s32 $0x1D740;
	v1 =	vld.idx.msk [tilespmem:v6+s2+$0x0], $0xffff  }
0xaa: {  	v2 =	vld.idx.msk [tilespmem:v7+s2+$0x0], $0xffff;
	[tilespmem:s21+$0x30] =	vst v9  }
0xab: {  	s22 =	simm.s32 $0x0;
	s23 =	simm.s32 $0x1B7F0;
	v4 =	vld.idx.msk [tilespmem:v8+s2+$0x0], $0xffff;
	[tilespmem:s21+$0xFFFFFFD0] =	vst v10  }
.LBB2_9:
0xac: {  	v6 =	vld [tilespmem:s23+$0x0];
	s22 =	sadd.s32 $0x80, s22;
	[tilespmem:s21+$0xFFFFFFE0] =	vst v5  }
0xad: {  	v5 =	vld [tilespmem:s23+$0xFFFFFFA0];
	p0 =	slt.u32 s22, $0xF80;
	[tilespmem:s21+$0xFFFFFFF0] =	vst v3  }
0xae: {  	v3 =	vld [tilespmem:s23+$0xFFFFFFB0];
	[tilespmem:s21+$0x0] =	vst v0  }
0xaf: {  	v0 =	vld [tilespmem:s23+$0xFFFFFFC0];
	[tilespmem:s21+$0x10] =	vst v1  }
0xb0: {  	v1 =	vld [tilespmem:s23+$0xFFFFFFD0];
	[tilespmem:s21+$0x20] =	vst v2  }
0xb1: {  	v2 =	vld [tilespmem:s23+$0xFFFFFFE0];
	[tilespmem:s21+$0xFFFFFFC0] =	vst v4  }
0xb2: {  	v4 =	vld [tilespmem:s23+$0xFFFFFFF0]  }
0xb3: {  	v7 =	vld [tilespmem:s23+$0xFFFFFF90]  }
0xb4: {  	v6 =	vld.idx.msk [tilespmem:v6+s2+$0x0], $0xffff  }
0xb5: {  	v8 =	vld.idx.msk [tilespmem:v5+s2+$0x0], $0xffff  }
0xb6: {  	v5 =	vld.idx.msk [tilespmem:v3+s2+$0x0], $0xffff  }
.Ltmp3:
0xb7: {  	v3 =	vld.idx.msk [tilespmem:v0+s2+$0x0], $0xffff;
	(pc) =	sbr.rel @p0 .LBB2_9-.Ltmp3, $4  }
0xb8: {  	v0 =	vld.idx.msk [tilespmem:v1+s2+$0x0], $0xffff  }
0xb9: {  	s21 =	sadd.s32 $0x80, s21;
	v1 =	vld.idx.msk [tilespmem:v2+s2+$0x0], $0xffff  }
0xba: {  	v2 =	vld.idx.msk [tilespmem:v4+s2+$0x0], $0xffff;
	[tilespmem:s21+$0x30] =	vst v6  }
0xbb: {  	s23 =	sadd.s32 $0x80, s23;
	v4 =	vld.idx.msk [tilespmem:v7+s2+$0x0], $0xffff;
	[tilespmem:s21+$0xFFFFFFD0] =	vst v8  }
0xbc: {  	[tilespmem:s21+$0xFFFFFFE0] =	vst v5  }
0xbd: {  	[tilespmem:s21+$0xFFFFFFF0] =	vst v3  }
0xbe: {  	[tilespmem:s21+$0x0] =	vst v0  }
0xbf: {  	[tilespmem:s21+$0x10] =	vst v1  }
0xc0: {  	[tilespmem:s21+$0x20] =	vst v2  }
0xc1: {  	s20 =	sadd.s32 s20, s9;
	s18 =	sadd.s32 $0x1, s18;
	[tilespmem:s21+$0xFFFFFFC0] =	vst v4  }
0xc2: {  	[hbm4b:s20+s11] =	stream.strided.scatter [tilespmem:s15], [sflag:$0x2], $0x1000, s12, s11, $0x38;
	[tilespmem:$0x1E700] =	vst v63  }
0xc3: {  	p0 =	sne.s32 s18, $0xD;
	_ =	swait.ge [sflag:s16], $0x1000  }
.Ltmp4:
0xc4: {  	[sflag:s16] =	ssyncset.done $0x0;
	(pc) =	sbr.rel @p0 .LBB2_2-.Ltmp4, $4  }
0xc5: {  	[sflag:s16] =	ssyncadd.s32 $0xFFFFF000  }
0xc6: {  	_ =	swait.ge [sflag:s16], $0x1000  }
0xc7: {  	[sflag:s16] =	ssyncset.done $0x0  }
0xc8: {  	[sflag:s16] =	ssyncadd.s32 $0xFFFFF000  }
0xc9: {  	s17 =	sadd.s32 $0x1, s17  }
0xca: {  	p0 =	sne.s32 s17, s10  }
.Ltmp5:
0xcb: {  	_ = 	snop;
	(pc) =	sbr.rel @p0 .LBB2_1-.Ltmp5, $1  }
0xcc: {  	_ =	sdelay $0x3  }
0xcd: {  	_ =	sfence.sel $0x180000  }
0xce: {  	[bflag:$0x0] =	sbarrier.arrive $0xFFFF  }
0xcf: {  	p0 =	sne.s32 s3, $0x0;
	_ =	strace $0x90000047  }
0xd0: {  	s0 =	sadd.s32 @!p0 $0x100000, s0;
	[bflag:$0x2] =	sbarrier.arrive $0xFFFF  }
0xd1: {  	[sflag:s0] =	ssyncadd.tile.s32 @!p0 $0x1;
	_ =	shalt  }
.Lfunc_end2:
_tile_overlayer_lowered:
.L_overlay_start_2:
0xd2: {  	(tag) =	ssettag $0x2  }
0xd3: {  	s0 =	rddreg [dreg:$0x0];
	s2 =	stileid.u32  }
0xd4: {  	s1 =	rddreg [dreg:$0x1];
	p0 =	sne.s32 s2, $0x0  }
0xd5: {  	s3 =	rddreg [dreg:$0x2];
	[bflag:$0x3] =	sbarrier.arrive $0xFFFF;
	s2 =	simm.s32 @!p0 $0x1C03  }
0xd6: {  	[timem:s3], [sflag:s2] =	dma.local @!p0 [hbm:s0], s1  }
0xd7: {  	s0 =	simm.s32 @!p0 $0x3  }
0xd8: {  	_ =	swait.ge @!p0 [sflag:s0], s1  }
0xd9: {  	s1 =	ssub.s32 @!p0 $0x0, s1;
	[sflag:s0] =	ssyncset.done @!p0 $0x0  }
0xda: {  	[sflag:s0] =	ssyncadd.s32 @!p0 s1  }
0xdb: {  	[bflag:$0x3] =	sbarrier.arrive $0xFFFF  }
0xdc: {  	_ =	shalt  }

</sc_bundles>
